<compile_context>
chip_gen: v7x
topology: tpu7x:2x2x1
jax: 0.10.2.dev20260603
libtpu: 0.0.44.dev20260713+nightly
codegen_flags: <defaults>
</compile_context>

<pallas_src>
import functools

import jax
import jax.numpy as jnp
from jax import lax
from jax.experimental import pallas as pl
from jax.experimental.pallas import tpu as pltpu
from jax.experimental.pallas import tpu_sc as plsc

NC = 2
NS = 16
NW = NC * NS
CH = 128

H = 2
C = 128


def _sc_mesh():
    return plsc.VectorSubcoreMesh(
        core_axis_name="c", subcore_axis_name="s", num_cores=NC, num_subcores=NS
    )


def _gather_rows(table, src2d, dst2d, e):
    nchunk = src2d.shape[0]
    nloop = (nchunk + NW - 1) // NW

    @functools.partial(
        pl.kernel,
        out_type=(
            jax.ShapeDtypeStruct((e, 16), jnp.float32),
            jax.ShapeDtypeStruct((e, 16), jnp.float32),
        ),
        mesh=_sc_mesh(),
        compiler_params=pltpu.CompilerParams(use_tc_tiling_on_sc=False),
        scratch_types=[
            pltpu.VMEM((CH,), jnp.int32),
            pltpu.VMEM((CH, 16), jnp.float32),
            pltpu.SemaphoreType.DMA,
        ],
    )
    def k(table_h, src_h, dst_h, xs_h, xd_h, idx_v, rows_v, sem):
        wid = lax.axis_index("s") * NC + lax.axis_index("c")

        def body(j, carry):
            r = j * NW + wid

            @pl.when(r < nchunk)
            def _():
                pltpu.sync_copy(src_h.at[r], idx_v)
                pltpu.async_copy(table_h.at[idx_v], rows_v, sem).wait()
                pltpu.sync_copy(rows_v, xs_h.at[pl.ds(r * CH, CH)])
                pltpu.sync_copy(dst_h.at[r], idx_v)
                pltpu.async_copy(table_h.at[idx_v], rows_v, sem).wait()
                pltpu.sync_copy(rows_v, xd_h.at[pl.ds(r * CH, CH)])

            return carry

        lax.fori_loop(0, nloop, body, 0)

    return k(table, src2d, dst2d)


def _scatter_add(payload, dst2d, n):
    nchunk = dst2d.shape[0]
    nloop = (nchunk + NW - 1) // NW
    stripe = n // NS

    @functools.partial(
        pl.kernel,
        out_type=jax.ShapeDtypeStruct((NC, n, 16), jnp.float32),
        mesh=_sc_mesh(),
        compiler_params=pltpu.CompilerParams(use_tc_tiling_on_sc=False),
        scratch_types=[
            pltpu.VMEM_SHARED((n, 16), jnp.float32),
            pltpu.VMEM((1, CH), jnp.int32),
            pltpu.VMEM((CH, 16), jnp.float32),
            pltpu.VMEM((stripe, 16), jnp.float32),
        ],
    )
    def k(payload_h, dst_h, out_h, acc_s, idx_v, rows_v, zbuf_v):
        cid = lax.axis_index("c")
        sid = lax.axis_index("s")
        wid = sid * NC + cid

        z16 = jnp.zeros((16,), jnp.float32)

        def zbody(i, carry):
            zbuf_v[i] = z16
            return carry

        lax.fori_loop(0, stripe, zbody, 0)
        pltpu.sync_copy(zbuf_v, acc_s.at[pl.ds(sid * stripe, stripe)])
        plsc.subcore_barrier()

        def body(j, carry):
            r = j * NW + wid

            @pl.when(r < nchunk)
            def _():
                pltpu.sync_copy(dst_h.at[r], idx_v.at[0])
                pltpu.sync_copy(payload_h.at[pl.ds(r * CH, CH)], rows_v)
                pltpu.sync_copy(rows_v, acc_s.at[idx_v.at[0]], add=True)

            return carry

        lax.fori_loop(0, nloop, body, 0)
        plsc.subcore_barrier()

        pltpu.sync_copy(acc_s.at[pl.ds(sid * stripe, stripe)], zbuf_v)
        pltpu.sync_copy(zbuf_v, out_h.at[cid, pl.ds(sid * stripe, stripe)])

    return k(payload, dst2d)


def _edge_math(xs, xd, ew, Ml, Mr, We_row, const_row, abd, g16, beta16, e):
    BE = 3200
    grid = (e // BE,)
    full = lambda shape: pl.BlockSpec(shape, lambda i: (0, 0))

    def body(xs_r, xd_r, ew_r, ml_r, mr_r, we_r, cr_r, abd_r, g_r, b_r, out_r):
        xs_b = xs_r[...]
        z = (
            jnp.dot(xd_r[...], mr_r[...], preferred_element_type=jnp.float32, precision=lax.Precision.HIGHEST)
            + jnp.dot(xs_b, ml_r[...], preferred_element_type=jnp.float32, precision=lax.Precision.HIGHEST)
            + ew_r[...] * we_r[...]
            + cr_r[...]
        )
        z = jnp.where(z > 0, z, 0.2 * z)
        al = jnp.dot(z, abd_r[...], preferred_element_type=jnp.float32, precision=lax.Precision.HIGHEST)
        ex = jnp.exp(al)
        ex0 = ex[:, 0:1]
        ex1 = ex[:, 1:2]
        xsb = xs_b * g_r[...] + b_r[...]
        rolled = jnp.concatenate([xsb[:, 11:], xsb[:, :11]], axis=1)
        lane = lax.broadcasted_iota(jnp.int32, (BE, 16), 1)
        p = (
            ex0 * jnp.where(lane < 5, xsb, 0.0)
            + ex1 * jnp.where((lane >= 5) & (lane < 10), rolled, 0.0)
            + jnp.where(lane == 10, ex0, 0.0)
            + jnp.where(lane == 11, ex1, 0.0)
            + jnp.where(lane == 12, 1.0, 0.0)
        )
        out_r[...] = p

    return pl.pallas_call(
        body,
        grid=grid,
        in_specs=[
            pl.BlockSpec((BE, 16), lambda i: (i, 0)),
            pl.BlockSpec((BE, 16), lambda i: (i, 0)),
            pl.BlockSpec((BE, 1), lambda i: (i, 0)),
            full((16, H * C)),
            full((16, H * C)),
            full((1, H * C)),
            full((1, H * C)),
            full((H * C, H)),
            full((1, 16)),
            full((1, 16)),
        ],
        out_specs=pl.BlockSpec((BE, 16), lambda i: (i, 0)),
        out_shape=jax.ShapeDtypeStruct((e, 16), jnp.float32),
    )(xs, xd, ew, Ml, Mr, We_row, const_row, abd, g16, beta16)


def _node_math(acc0, acc1, G0, G1, bcv, W1p, c1, W2, b2row, n, dout):
    BN = 2000
    grid = (n // BN,)
    full = lambda shape: pl.BlockSpec(shape, lambda i: (0, 0))

    def body(a0_r, a1_r, g0_r, g1_r, bcv_r, w1_r, c1_r, w2_r, b2_r, y_r):
        a = a0_r[...] + a1_r[...]
        s0 = jnp.dot(a, g0_r[...], preferred_element_type=jnp.float32, precision=lax.Precision.HIGHEST)
        s1 = jnp.dot(a, g1_r[...], preferred_element_type=jnp.float32, precision=lax.Precision.HIGHEST)
        d0 = a[:, 10:11]
        d1 = a[:, 11:12]
        cnt = a[:, 12:13]
        oc = (s0 / (d0 + 1e-16) + s1 / (d1 + 1e-16)) * 0.5
        oc = oc / jnp.maximum(cnt, 1.0) + bcv_r[...]
        h2 = jnp.dot(oc, w1_r[...], preferred_element_type=jnp.float32, precision=lax.Precision.HIGHEST) + c1_r[...]
        h2 = jnp.where(h2 > 0, h2, 0.01 * h2)
        y_r[...] = jnp.dot(h2, w2_r[...], preferred_element_type=jnp.float32, precision=lax.Precision.HIGHEST) + b2_r[...]

    return pl.pallas_call(
        body,
        grid=grid,
        in_specs=[
            pl.BlockSpec((BN, 16), lambda i: (i, 0)),
            pl.BlockSpec((BN, 16), lambda i: (i, 0)),
            full((16, C)),
            full((16, C)),
            full((1, C)),
            full((C, C)),
            full((1, C)),
            full((C, dout)),
            full((1, dout)),
        ],
        out_specs=pl.BlockSpec((BN, dout), lambda i: (i, 0)),
        out_shape=jax.ShapeDtypeStruct((n, dout), jnp.float32),
    )(acc0, acc1, G0, G1, bcv, W1p, c1, W2, b2row)


def kernel(h, edge_index, edge_weight, gamma1, beta1, W_l, b_l, W_r, b_r, W_e,
           att, bias_conv, W1, b1, gamma_fc, beta_fc, W2, b2):
    eps = 1e-5
    n, din = h.shape
    e = edge_index.shape[1]
    dout = W2.shape[1]

    src = edge_index[0].astype(jnp.int32)
    dst = edge_index[1].astype(jnp.int32)
    src2d = src.reshape(e // CH, CH)
    dst2d = dst.reshape(e // CH, CH)

    g = gamma1 / jnp.sqrt(1.0 + eps)
    h16 = jnp.pad(h, ((0, 0), (0, 16 - din)))
    Ml = jnp.pad(g[:, None] * W_l, ((0, 16 - din), (0, 0)))
    Mr = jnp.pad(g[:, None] * W_r, ((0, 16 - din), (0, 0)))
    const_row = (b_l + b_r + beta1 @ (W_l + W_r))[None, :]
    We_row = W_e[0][None, :]
    abd = jnp.zeros((H * C, H), jnp.float32)
    abd = abd.at[:C, 0].set(att[0]).at[C:, 1].set(att[1])
    g16 = jnp.pad(g, (0, 16 - din))[None, :]
    beta16 = jnp.pad(beta1, (0, 16 - din))[None, :]
    G0 = jnp.zeros((16, C), jnp.float32).at[:din].set(W_l[:, :C]).at[10].set(b_l[:C])
    G1 = jnp.zeros((16, C), jnp.float32).at[din:2 * din].set(W_l[:, C:]).at[11].set(b_l[C:])
    gfc = gamma_fc / jnp.sqrt(1.0 + eps)
    W1p = W1 * gfc[None, :]
    c1 = (b1 * gfc + beta_fc)[None, :]
    bcv = bias_conv[None, :]
    b2row = b2[None, :]

    xs, xd = _gather_rows(h16, src2d, dst2d, e)
    payload = _edge_math(
        xs, xd, edge_weight, Ml, Mr, We_row, const_row, abd, g16, beta16, e
    )
    accs = _scatter_add(payload, dst2d, n)
    y = _node_math(accs[0], accs[1], G0, G1, bcv, W1p, c1, W2, b2row, n, dout)
    return y

# --- scband reference (transcript-rebuilt; emitter-appended) ---
"""Pipeline reference for scband-gcn-simple-7687991460232 (READ-ONLY COPY).

The authoritative reference and input builder live on the scoring server;
editing this copy changes nothing except your own understanding.
"""

import jax, jax.numpy as jnp
import numpy as np

N = 10000
E = 320000
DIN = 5
H = 2
C = 128

def setup_inputs(seed: int = 0) -> dict:
    key = jax.random.key(seed)
    ks = jax.random.split(key, 12)
    h = jax.random.normal(ks[0], (N, DIN), dtype=jnp.float32)
    edge_index = jax.random.randint(ks[1], (2, E), 0, N)
    edge_weight = jax.random.uniform(ks[2], (E, 1), dtype=jnp.float32)
    sc_in = 1.0 / np.sqrt(DIN)
    sc_c = 1.0 / np.sqrt(C)
    W_l = jax.random.normal(ks[3], (DIN, H * C), dtype=jnp.float32) * sc_in
    b_l = jnp.zeros((H * C,), dtype=jnp.float32)
    W_r = jax.random.normal(ks[4], (DIN, H * C), dtype=jnp.float32) * sc_in
    b_r = jnp.zeros((H * C,), dtype=jnp.float32)
    W_e = jax.random.normal(ks[5], (1, H * C), dtype=jnp.float32)
    att = jax.random.normal(ks[6], (H, C), dtype=jnp.float32) * sc_c
    bias_conv = jnp.zeros((C,), dtype=jnp.float32)
    gamma1 = jnp.ones((DIN,), dtype=jnp.float32)
    beta1 = jnp.zeros((DIN,), dtype=jnp.float32)
    W1 = jax.random.normal(ks[7], (C, C), dtype=jnp.float32) * sc_c
    b1 = jnp.zeros((C,), dtype=jnp.float32)
    gamma_fc = jnp.ones((C,), dtype=jnp.float32)
    beta_fc = jnp.zeros((C,), dtype=jnp.float32)
    W2 = jax.random.normal(ks[8], (C, DIN), dtype=jnp.float32) * sc_c
    b2 = jnp.zeros((DIN,), dtype=jnp.float32)
    return {"h": h, "edge_index": edge_index, "edge_weight": edge_weight,
            "gamma1": gamma1, "beta1": beta1,
            "W_l": W_l, "b_l": b_l, "W_r": W_r, "b_r": b_r,
            "W_e": W_e, "att": att, "bias_conv": bias_conv,
            "W1": W1, "b1": b1, "gamma_fc": gamma_fc, "beta_fc": beta_fc,
            "W2": W2, "b2": b2}

def reference(h, edge_index, edge_weight, gamma1, beta1, W_l, b_l, W_r, b_r, W_e, att, bias_conv, W1, b1, gamma_fc, beta_fc, W2, b2):
    eps = 1e-5
    n = h.shape[0]
    e = edge_index.shape[1]
    # BatchNorm1d (eval: running_mean=0, running_var=1)
    x = h / jnp.sqrt(1.0 + eps) * gamma1 + beta1
    src = edge_index[0]
    dst = edge_index[1]
    # GATv2Conv: share_weights=False, edge_dim=1, heads=2, concat=False, aggr='mean', no self loops
    x_l = (x @ W_l + b_l).reshape(n, H, C)
    x_r = (x @ W_r + b_r).reshape(n, H, C)
    edge_e = (edge_weight @ W_e).reshape(e, H, C)
    x_j = x_l[src]
    x_i = x_r[dst]
    z = x_i + x_j + edge_e
    z = jnp.where(z > 0, z, 0.2 * z)  # GATv2 internal leaky_relu(0.2)
    alpha = (z * att[None, :, :]).sum(-1)  # [E, H]
    # segment softmax over destination nodes
    amax = jax.ops.segment_max(alpha, dst, num_segments=n)
    amax = jnp.where(jnp.isfinite(amax), amax, 0.0)
    amax = jax.lax.stop_gradient(amax)
    ex = jnp.exp(alpha - amax[dst])
    denom = jax.ops.segment_sum(ex, dst, num_segments=n)
    alpha_n = ex / (denom[dst] + 1e-16)
    msg = x_j * alpha_n[:, :, None]
    s = jax.ops.segment_sum(msg, dst, num_segments=n)
    cnt = jax.ops.segment_sum(jnp.ones((e,), jnp.float32), dst, num_segments=n)
    out = s / jnp.maximum(cnt, 1.0)[:, None, None]  # aggr='mean'
    out = out.mean(axis=1) + bias_conv  # concat=False -> mean over heads
    # fc1 + BatchNorm1d (eval) + leaky_relu(0.01) + dropout(eval=id) + fc2
    h2 = out @ W1 + b1
    h2 = h2 / jnp.sqrt(1.0 + eps) * gamma_fc + beta_fc
    h2 = jnp.where(h2 > 0, h2, 0.01 * h2)
    y = h2 @ W2 + b2
    return y

if __name__ == "__main__":
    import jax
    _d = setup_inputs()
    print(jax.jit(kernel)(*tuple(_d.values())))

</pallas_src>

<mosaic_0001>
#map = affine_map<(d0, d1) -> (0, 0)>
module attributes {stable_mosaic.version = 14 : i64} {
  func.func @k(%arg0: i32, %arg1: i32, %arg2: memref<10000x16xf32, #tpu.memory_space<hbm>>, %arg3: memref<2500x128xi32, #tpu.memory_space<hbm>>, %arg4: memref<2500x128xi32, #tpu.memory_space<hbm>>, %arg5: memref<320000x16xf32, #tpu.memory_space<hbm>>, %arg6: memref<320000x16xf32, #tpu.memory_space<hbm>>, %arg7: memref<128xi32, #tpu.memory_space<vmem>>, %arg8: memref<128x16xf32, #tpu.memory_space<vmem>>, %arg9: memref<!tpu.dma_semaphore, #tpu.memory_space<semaphore_mem>>) attributes {dimension_semantics = [#tpu.dimension_semantics<core_parallel>, #tpu.dimension_semantics<subcore_parallel>], iteration_bounds = array<i64: 2, 16>, scalar_prefetch = 0 : i64, scratch_operands = 3 : i64, tpu.core_type = #tpu.core_type<sc_vector_subcore>, window_params = [{transform_indices = #map}, {transform_indices = #map}, {transform_indices = #map}, {transform_indices = #map}, {transform_indices = #map}]} {
    %mul3A = arith.constant 2 : i32
    %mul3A_0 = arith.muli %arg1, %mul3A : i32
    %add3A = arith.addi %mul3A_0, %arg0 : i32
    %scan3A = arith.constant 0 : i32
    %scan3A_1 = arith.constant 0 : i32
    %scan3A_2 = arith.constant 79 : i32
    %scan3A_3 = arith.addi %scan3A_1, %scan3A_2 : i32
    %scan3A_4 = arith.constant 1 : i32
    scf.for %scan3A_6 = %scan3A_1 to %scan3A_3 step %scan3A_4  : i32 {
      %mul3A_7 = arith.constant 32 : i32
      %mul3A_8 = arith.muli %scan3A_6, %mul3A_7 : i32
      %add3A_9 = arith.addi %mul3A_8, %add3A : i32
      %lt3A = arith.constant 2500 : i32
      %lt3A_10 = arith.cmpi slt, %add3A_9, %lt3A : i32
      %convert_element_type3A = arith.extui %lt3A_10 : i1 to i32
      %cond3A = arith.constant 0 : i32
      %cond3A_11 = arith.cmpi ne, %convert_element_type3A, %cond3A : i32
      scf.if %cond3A_11 {
        "tpu.region"() ({
          %run_scoped3A = tpu.sem_alloc : memref<!tpu.dma_semaphore, #tpu.memory_space<semaphore_mem>>
          %dma_start3A_26 = arith.constant 0 : i32
          %dma_start3A_27 = tpu.memref_slice %arg3[%add3A_9, %dma_start3A_26] : memref<2500x128xi32, #tpu.memory_space<hbm>> -> memref<1x128xi32, #tpu.memory_space<hbm>>
          %dma_start3A_28 = tpu.memref_squeeze %dma_start3A_27 : memref<1x128xi32, #tpu.memory_space<hbm>> -> memref<128xi32, #tpu.memory_space<hbm>>
          %dma_start3A_29 = arith.constant 0 : i32
          %dma_start3A_30 = tpu.memref_slice %arg3[%add3A_9, %dma_start3A_29] : memref<2500x128xi32, #tpu.memory_space<hbm>> -> memref<1x128xi32, #tpu.memory_space<hbm>>
          %dma_start3A_31 = tpu.memref_squeeze %dma_start3A_30 : memref<1x128xi32, #tpu.memory_space<hbm>> -> memref<128xi32, #tpu.memory_space<hbm>>
          tpu.enqueue_dma source(%dma_start3A_31 : memref<128xi32, #tpu.memory_space<hbm>>) target(%arg7 : memref<128xi32, #tpu.memory_space<vmem>>) target_semaphore(%run_scoped3A : memref<!tpu.dma_semaphore, #tpu.memory_space<semaphore_mem>>)
          %dma_wait3A_32 = arith.constant 0 : i32
          %dma_wait3A_33 = tpu.memref_slice %arg3[%add3A_9, %dma_wait3A_32] : memref<2500x128xi32, #tpu.memory_space<hbm>> -> memref<1x128xi32, #tpu.memory_space<hbm>>
          %dma_wait3A_34 = tpu.memref_squeeze %dma_wait3A_33 : memref<1x128xi32, #tpu.memory_space<hbm>> -> memref<128xi32, #tpu.memory_space<hbm>>
          %dma_wait3A_35 = arith.constant 0 : i32
          %dma_wait3A_36 = tpu.memref_slice %arg3[%add3A_9, %dma_wait3A_35] : memref<2500x128xi32, #tpu.memory_space<hbm>> -> memref<1x128xi32, #tpu.memory_space<hbm>>
          %dma_wait3A_37 = tpu.memref_squeeze %dma_wait3A_36 : memref<1x128xi32, #tpu.memory_space<hbm>> -> memref<128xi32, #tpu.memory_space<hbm>>
          tpu.wait_dma2 semaphore(%run_scoped3A : memref<!tpu.dma_semaphore, #tpu.memory_space<semaphore_mem>>) src(%dma_wait3A_37 : memref<128xi32, #tpu.memory_space<hbm>>) dst(%arg7 : memref<128xi32, #tpu.memory_space<vmem>>)
          tpu.yield
        }) : () -> ()
        %dma_start3A = arith.constant 0 : i32
        %dma_start3A_12 = arith.constant 0 : i32
        %dma_start3A_13 = tpu.memref_slice %arg2[%dma_start3A, %dma_start3A_12] : memref<10000x16xf32, #tpu.memory_space<hbm>> -> memref<10000x16xf32, #tpu.memory_space<hbm>>
        tpu.enqueue_indirect_dma source(%dma_start3A_13 : memref<10000x16xf32, #tpu.memory_space<hbm>>) target(%arg8 : memref<128x16xf32, #tpu.memory_space<vmem>>) offsets(%arg7 : memref<128xi32, #tpu.memory_space<vmem>>) semaphore(%arg9 : memref<!tpu.dma_semaphore, #tpu.memory_space<semaphore_mem>>)
        %dma_wait3A = arith.constant 0 : i32
        %dma_wait3A_14 = arith.constant 0 : i32
        %dma_wait3A_15 = tpu.memref_slice %arg2[%dma_wait3A, %dma_wait3A_14] : memref<10000x16xf32, #tpu.memory_space<hbm>> -> memref<10000x16xf32, #tpu.memory_space<hbm>>
        tpu.wait_indirect_dma semaphore(%arg9 : memref<!tpu.dma_semaphore, #tpu.memory_space<semaphore_mem>>) src(%dma_wait3A_15 : memref<10000x16xf32, #tpu.memory_space<hbm>>) dst(%arg8 : memref<128x16xf32, #tpu.memory_space<vmem>>)
        %mul3A_16 = arith.constant 128 : i32
        %mul3A_17 = arith.muli %add3A_9, %mul3A_16 : i32
        "tpu.region"() ({
          %run_scoped3A = tpu.sem_alloc : memref<!tpu.dma_semaphore, #tpu.memory_space<semaphore_mem>>
          %dma_start3A_26 = arith.constant 0 : i32
          %dma_start3A_27 = tpu.memref_slice %arg5[%mul3A_17, %dma_start3A_26] : memref<320000x16xf32, #tpu.memory_space<hbm>> -> memref<128x16xf32, #tpu.memory_space<hbm>>
          %dma_start3A_28 = arith.constant 0 : i32
          %dma_start3A_29 = tpu.memref_slice %arg5[%mul3A_17, %dma_start3A_28] : memref<320000x16xf32, #tpu.memory_space<hbm>> -> memref<128x16xf32, #tpu.memory_space<hbm>>
          tpu.enqueue_dma source(%arg8 : memref<128x16xf32, #tpu.memory_space<vmem>>) target(%dma_start3A_29 : memref<128x16xf32, #tpu.memory_space<hbm>>) target_semaphore(%run_scoped3A : memref<!tpu.dma_semaphore, #tpu.memory_space<semaphore_mem>>)
          %dma_wait3A_30 = arith.constant 0 : i32
          %dma_wait3A_31 = tpu.memref_slice %arg5[%mul3A_17, %dma_wait3A_30] : memref<320000x16xf32, #tpu.memory_space<hbm>> -> memref<128x16xf32, #tpu.memory_space<hbm>>
          %dma_wait3A_32 = arith.constant 0 : i32
          %dma_wait3A_33 = tpu.memref_slice %arg5[%mul3A_17, %dma_wait3A_32] : memref<320000x16xf32, #tpu.memory_space<hbm>> -> memref<128x16xf32, #tpu.memory_space<hbm>>
          tpu.wait_dma2 semaphore(%run_scoped3A : memref<!tpu.dma_semaphore, #tpu.memory_space<semaphore_mem>>) src(%arg8 : memref<128x16xf32, #tpu.memory_space<vmem>>) dst(%dma_wait3A_33 : memref<128x16xf32, #tpu.memory_space<hbm>>)
          tpu.yield
        }) : () -> ()
        "tpu.region"() ({
          %run_scoped3A = tpu.sem_alloc : memref<!tpu.dma_semaphore, #tpu.memory_space<semaphore_mem>>
          %dma_start3A_26 = arith.constant 0 : i32
          %dma_start3A_27 = tpu.memref_slice %arg4[%add3A_9, %dma_start3A_26] : memref<2500x128xi32, #tpu.memory_space<hbm>> -> memref<1x128xi32, #tpu.memory_space<hbm>>
          %dma_start3A_28 = tpu.memref_squeeze %dma_start3A_27 : memref<1x128xi32, #tpu.memory_space<hbm>> -> memref<128xi32, #tpu.memory_space<hbm>>
          %dma_start3A_29 = arith.constant 0 : i32
          %dma_start3A_30 = tpu.memref_slice %arg4[%add3A_9, %dma_start3A_29] : memref<2500x128xi32, #tpu.memory_space<hbm>> -> memref<1x128xi32, #tpu.memory_space<hbm>>
          %dma_start3A_31 = tpu.memref_squeeze %dma_start3A_30 : memref<1x128xi32, #tpu.memory_space<hbm>> -> memref<128xi32, #tpu.memory_space<hbm>>
          tpu.enqueue_dma source(%dma_start3A_31 : memref<128xi32, #tpu.memory_space<hbm>>) target(%arg7 : memref<128xi32, #tpu.memory_space<vmem>>) target_semaphore(%run_scoped3A : memref<!tpu.dma_semaphore, #tpu.memory_space<semaphore_mem>>)
          %dma_wait3A_32 = arith.constant 0 : i32
          %dma_wait3A_33 = tpu.memref_slice %arg4[%add3A_9, %dma_wait3A_32] : memref<2500x128xi32, #tpu.memory_space<hbm>> -> memref<1x128xi32, #tpu.memory_space<hbm>>
          %dma_wait3A_34 = tpu.memref_squeeze %dma_wait3A_33 : memref<1x128xi32, #tpu.memory_space<hbm>> -> memref<128xi32, #tpu.memory_space<hbm>>
          %dma_wait3A_35 = arith.constant 0 : i32
          %dma_wait3A_36 = tpu.memref_slice %arg4[%add3A_9, %dma_wait3A_35] : memref<2500x128xi32, #tpu.memory_space<hbm>> -> memref<1x128xi32, #tpu.memory_space<hbm>>
          %dma_wait3A_37 = tpu.memref_squeeze %dma_wait3A_36 : memref<1x128xi32, #tpu.memory_space<hbm>> -> memref<128xi32, #tpu.memory_space<hbm>>
          tpu.wait_dma2 semaphore(%run_scoped3A : memref<!tpu.dma_semaphore, #tpu.memory_space<semaphore_mem>>) src(%dma_wait3A_37 : memref<128xi32, #tpu.memory_space<hbm>>) dst(%arg7 : memref<128xi32, #tpu.memory_space<vmem>>)
          tpu.yield
        }) : () -> ()
        %dma_start3A_18 = arith.constant 0 : i32
        %dma_start3A_19 = arith.constant 0 : i32
        %dma_start3A_20 = tpu.memref_slice %arg2[%dma_start3A_18, %dma_start3A_19] : memref<10000x16xf32, #tpu.memory_space<hbm>> -> memref<10000x16xf32, #tpu.memory_space<hbm>>
        tpu.enqueue_indirect_dma source(%dma_start3A_20 : memref<10000x16xf32, #tpu.memory_space<hbm>>) target(%arg8 : memref<128x16xf32, #tpu.memory_space<vmem>>) offsets(%arg7 : memref<128xi32, #tpu.memory_space<vmem>>) semaphore(%arg9 : memref<!tpu.dma_semaphore, #tpu.memory_space<semaphore_mem>>)
        %dma_wait3A_21 = arith.constant 0 : i32
        %dma_wait3A_22 = arith.constant 0 : i32
        %dma_wait3A_23 = tpu.memref_slice %arg2[%dma_wait3A_21, %dma_wait3A_22] : memref<10000x16xf32, #tpu.memory_space<hbm>> -> memref<10000x16xf32, #tpu.memory_space<hbm>>
        tpu.wait_indirect_dma semaphore(%arg9 : memref<!tpu.dma_semaphore, #tpu.memory_space<semaphore_mem>>) src(%dma_wait3A_23 : memref<10000x16xf32, #tpu.memory_space<hbm>>) dst(%arg8 : memref<128x16xf32, #tpu.memory_space<vmem>>)
        %mul3A_24 = arith.constant 128 : i32
        %mul3A_25 = arith.muli %add3A_9, %mul3A_24 : i32
        "tpu.region"() ({
          %run_scoped3A = tpu.sem_alloc : memref<!tpu.dma_semaphore, #tpu.memory_space<semaphore_mem>>
          %dma_start3A_26 = arith.constant 0 : i32
          %dma_start3A_27 = tpu.memref_slice %arg6[%mul3A_25, %dma_start3A_26] : memref<320000x16xf32, #tpu.memory_space<hbm>> -> memref<128x16xf32, #tpu.memory_space<hbm>>
          %dma_start3A_28 = arith.constant 0 : i32
          %dma_start3A_29 = tpu.memref_slice %arg6[%mul3A_25, %dma_start3A_28] : memref<320000x16xf32, #tpu.memory_space<hbm>> -> memref<128x16xf32, #tpu.memory_space<hbm>>
          tpu.enqueue_dma source(%arg8 : memref<128x16xf32, #tpu.memory_space<vmem>>) target(%dma_start3A_29 : memref<128x16xf32, #tpu.memory_space<hbm>>) target_semaphore(%run_scoped3A : memref<!tpu.dma_semaphore, #tpu.memory_space<semaphore_mem>>)
          %dma_wait3A_30 = arith.constant 0 : i32
          %dma_wait3A_31 = tpu.memref_slice %arg6[%mul3A_25, %dma_wait3A_30] : memref<320000x16xf32, #tpu.memory_space<hbm>> -> memref<128x16xf32, #tpu.memory_space<hbm>>
          %dma_wait3A_32 = arith.constant 0 : i32
          %dma_wait3A_33 = tpu.memref_slice %arg6[%mul3A_25, %dma_wait3A_32] : memref<320000x16xf32, #tpu.memory_space<hbm>> -> memref<128x16xf32, #tpu.memory_space<hbm>>
          tpu.wait_dma2 semaphore(%run_scoped3A : memref<!tpu.dma_semaphore, #tpu.memory_space<semaphore_mem>>) src(%arg8 : memref<128x16xf32, #tpu.memory_space<vmem>>) dst(%dma_wait3A_33 : memref<128x16xf32, #tpu.memory_space<hbm>>)
          tpu.yield
        }) : () -> ()
      } else {
      }
    }
    %scan3A_5 = arith.constant 79 : i32
    return
  }
}

#map = affine_map<(d0, d1) -> (0, 0)>
#map1 = affine_map<(d0, d1) -> (0, 0, 0)>
module attributes {stable_mosaic.version = 14 : i64} {
  func.func @k(%arg0: i32, %arg1: i32, %arg2: memref<320000x16xf32, #tpu.memory_space<hbm>>, %arg3: memref<2500x128xi32, #tpu.memory_space<hbm>>, %arg4: memref<2x10000x16xf32, #tpu.memory_space<hbm>>, %arg5: memref<10000x16xf32, #tpu.memory_space<vmem_shared>>, %arg6: memref<1x128xi32, #tpu.memory_space<vmem>>, %arg7: memref<128x16xf32, #tpu.memory_space<vmem>>, %arg8: memref<625x16xf32, #tpu.memory_space<vmem>>) attributes {dimension_semantics = [#tpu.dimension_semantics<core_parallel>, #tpu.dimension_semantics<subcore_parallel>], iteration_bounds = array<i64: 2, 16>, scalar_prefetch = 0 : i64, scratch_operands = 4 : i64, tpu.core_type = #tpu.core_type<sc_vector_subcore>, window_params = [{transform_indices = #map}, {transform_indices = #map}, {transform_indices = #map1}]} {
    %mul3A = arith.constant 2 : i32
    %mul3A_0 = arith.muli %arg1, %mul3A : i32
    %add3A = arith.addi %mul3A_0, %arg0 : i32
    %broadcast_in_dim3A = arith.constant 0.000000e+00 : f32
    %broadcast_in_dim3A_1 = vector.broadcast %broadcast_in_dim3A : f32 to vector<16xf32>
    %scan3A = arith.constant 0 : i32
    %scan3A_2 = arith.constant 0 : i32
    %scan3A_3 = arith.constant 625 : i32
    %scan3A_4 = arith.addi %scan3A_2, %scan3A_3 : i32
    %scan3A_5 = arith.constant 1 : i32
    scf.for %scan3A_20 = %scan3A_2 to %scan3A_4 step %scan3A_5  : i32 {
      %swap3A = arith.index_cast %scan3A_20 : i32 to index
      %swap3A_21 = arith.constant 0 : index
      %swap3A_22 = tpu.vector_load %arg8[%swap3A, %swap3A_21] {strides = array<i32>} : memref<625x16xf32, #tpu.memory_space<vmem>>, vector<1x16xf32>,
      %swap3A_23 = vector.shape_cast %swap3A_22 : vector<1x16xf32> to vector<16xf32>
      %swap3A_24 = vector.shape_cast %broadcast_in_dim3A_1 : vector<16xf32> to vector<1x16xf32>
      tpu.vector_store %arg8[%swap3A, %swap3A_21], %swap3A_24 {strides = array<i32>} : memref<625x16xf32, #tpu.memory_space<vmem>>, vector<1x16xf32>,
    }
    %scan3A_6 = arith.constant 625 : i32
    %mul3A_7 = arith.constant 625 : i32
    %mul3A_8 = arith.muli %arg1, %mul3A_7 : i32
    "tpu.region"() ({
      %run_scoped3A = tpu.sem_alloc : memref<!tpu.dma_semaphore, #tpu.memory_space<semaphore_mem>>
      %dma_start3A = arith.constant 0 : i32
      %dma_start3A_20 = tpu.memref_slice %arg5[%mul3A_8, %dma_start3A] : memref<10000x16xf32, #tpu.memory_space<vmem_shared>> -> memref<625x16xf32, #tpu.memory_space<vmem_shared>>
      %dma_start3A_21 = arith.constant 0 : i32
      %dma_start3A_22 = tpu.memref_slice %arg5[%mul3A_8, %dma_start3A_21] : memref<10000x16xf32, #tpu.memory_space<vmem_shared>> -> memref<625x16xf32, #tpu.memory_space<vmem_shared>>
      tpu.enqueue_dma source(%arg8 : memref<625x16xf32, #tpu.memory_space<vmem>>) target(%dma_start3A_22 : memref<625x16xf32, #tpu.memory_space<vmem_shared>>) target_semaphore(%run_scoped3A : memref<!tpu.dma_semaphore, #tpu.memory_space<semaphore_mem>>)
      %dma_wait3A = arith.constant 0 : i32
      %dma_wait3A_23 = tpu.memref_slice %arg5[%mul3A_8, %dma_wait3A] : memref<10000x16xf32, #tpu.memory_space<vmem_shared>> -> memref<625x16xf32, #tpu.memory_space<vmem_shared>>
      %dma_wait3A_24 = arith.constant 0 : i32
      %dma_wait3A_25 = tpu.memref_slice %arg5[%mul3A_8, %dma_wait3A_24] : memref<10000x16xf32, #tpu.memory_space<vmem_shared>> -> memref<625x16xf32, #tpu.memory_space<vmem_shared>>
      tpu.wait_dma2 semaphore(%run_scoped3A : memref<!tpu.dma_semaphore, #tpu.memory_space<semaphore_mem>>) src(%arg8 : memref<625x16xf32, #tpu.memory_space<vmem>>) dst(%dma_wait3A_25 : memref<625x16xf32, #tpu.memory_space<vmem_shared>>)
      tpu.yield
    }) : () -> ()
    %barrier3A = arith.constant 0 : index
    tpu.barrier barrier_id(%barrier3A)
    %scan3A_9 = arith.constant 0 : i32
    %scan3A_10 = arith.constant 0 : i32
    %scan3A_11 = arith.constant 79 : i32
    %scan3A_12 = arith.addi %scan3A_10, %scan3A_11 : i32
    %scan3A_13 = arith.constant 1 : i32
    scf.for %scan3A_20 = %scan3A_10 to %scan3A_12 step %scan3A_13  : i32 {
      %mul3A_21 = arith.constant 32 : i32
      %mul3A_22 = arith.muli %scan3A_20, %mul3A_21 : i32
      %add3A_23 = arith.addi %mul3A_22, %add3A : i32
      %lt3A = arith.constant 2500 : i32
      %lt3A_24 = arith.cmpi slt, %add3A_23, %lt3A : i32
      %convert_element_type3A = arith.extui %lt3A_24 : i1 to i32
      %cond3A = arith.constant 0 : i32
      %cond3A_25 = arith.cmpi ne, %convert_element_type3A, %cond3A : i32
      scf.if %cond3A_25 {
        %run_scoped3A = arith.constant 0 : i32
        "tpu.region"() ({
          %run_scoped3A_29 = tpu.sem_alloc : memref<!tpu.dma_semaphore, #tpu.memory_space<semaphore_mem>>
          %dma_start3A = arith.constant 0 : i32
          %dma_start3A_30 = tpu.memref_slice %arg6[%run_scoped3A, %dma_start3A] : memref<1x128xi32, #tpu.memory_space<vmem>> -> memref<1x128xi32, #tpu.memory_space<vmem>>
          %dma_start3A_31 = tpu.memref_squeeze %dma_start3A_30 : memref<1x128xi32, #tpu.memory_space<vmem>> -> memref<128xi32, #tpu.memory_space<vmem>>
          %dma_start3A_32 = arith.constant 0 : i32
          %dma_start3A_33 = tpu.memref_slice %arg3[%add3A_23, %dma_start3A_32] : memref<2500x128xi32, #tpu.memory_space<hbm>> -> memref<1x128xi32, #tpu.memory_space<hbm>>
          %dma_start3A_34 = tpu.memref_squeeze %dma_start3A_33 : memref<1x128xi32, #tpu.memory_space<hbm>> -> memref<128xi32, #tpu.memory_space<hbm>>
          %dma_start3A_35 = arith.constant 0 : i32
          %dma_start3A_36 = tpu.memref_slice %arg6[%run_scoped3A, %dma_start3A_35] : memref<1x128xi32, #tpu.memory_space<vmem>> -> memref<1x128xi32, #tpu.memory_space<vmem>>
          %dma_start3A_37 = tpu.memref_squeeze %dma_start3A_36 : memref<1x128xi32, #tpu.memory_space<vmem>> -> memref<128xi32, #tpu.memory_space<vmem>>
          %dma_start3A_38 = arith.constant 0 : i32
          %dma_start3A_39 = tpu.memref_slice %arg3[%add3A_23, %dma_start3A_38] : memref<2500x128xi32, #tpu.memory_space<hbm>> -> memref<1x128xi32, #tpu.memory_space<hbm>>
          %dma_start3A_40 = tpu.memref_squeeze %dma_start3A_39 : memref<1x128xi32, #tpu.memory_space<hbm>> -> memref<128xi32, #tpu.memory_space<hbm>>
          tpu.enqueue_dma source(%dma_start3A_40 : memref<128xi32, #tpu.memory_space<hbm>>) target(%dma_start3A_37 : memref<128xi32, #tpu.memory_space<vmem>>) target_semaphore(%run_scoped3A_29 : memref<!tpu.dma_semaphore, #tpu.memory_space<semaphore_mem>>)
          %dma_wait3A = arith.constant 0 : i32
          %dma_wait3A_41 = tpu.memref_slice %arg6[%run_scoped3A, %dma_wait3A] : memref<1x128xi32, #tpu.memory_space<vmem>> -> memref<1x128xi32, #tpu.memory_space<vmem>>
          %dma_wait3A_42 = tpu.memref_squeeze %dma_wait3A_41 : memref<1x128xi32, #tpu.memory_space<vmem>> -> memref<128xi32, #tpu.memory_space<vmem>>
          %dma_wait3A_43 = arith.constant 0 : i32
          %dma_wait3A_44 = tpu.memref_slice %arg3[%add3A_23, %dma_wait3A_43] : memref<2500x128xi32, #tpu.memory_space<hbm>> -> memref<1x128xi32, #tpu.memory_space<hbm>>
          %dma_wait3A_45 = tpu.memref_squeeze %dma_wait3A_44 : memref<1x128xi32, #tpu.memory_space<hbm>> -> memref<128xi32, #tpu.memory_space<hbm>>
          %dma_wait3A_46 = arith.constant 0 : i32
          %dma_wait3A_47 = tpu.memref_slice %arg6[%run_scoped3A, %dma_wait3A_46] : memref<1x128xi32, #tpu.memory_space<vmem>> -> memref<1x128xi32, #tpu.memory_space<vmem>>
          %dma_wait3A_48 = tpu.memref_squeeze %dma_wait3A_47 : memref<1x128xi32, #tpu.memory_space<vmem>> -> memref<128xi32, #tpu.memory_space<vmem>>
          %dma_wait3A_49 = arith.constant 0 : i32
          %dma_wait3A_50 = tpu.memref_slice %arg3[%add3A_23, %dma_wait3A_49] : memref<2500x128xi32, #tpu.memory_space<hbm>> -> memref<1x128xi32, #tpu.memory_space<hbm>>
          %dma_wait3A_51 = tpu.memref_squeeze %dma_wait3A_50 : memref<1x128xi32, #tpu.memory_space<hbm>> -> memref<128xi32, #tpu.memory_space<hbm>>
          tpu.wait_dma2 semaphore(%run_scoped3A_29 : memref<!tpu.dma_semaphore, #tpu.memory_space<semaphore_mem>>) src(%dma_wait3A_51 : memref<128xi32, #tpu.memory_space<hbm>>) dst(%dma_wait3A_48 : memref<128xi32, #tpu.memory_space<vmem>>)
          tpu.yield
        }) : () -> ()
        %mul3A_26 = arith.constant 128 : i32
        %mul3A_27 = arith.muli %add3A_23, %mul3A_26 : i32
        "tpu.region"() ({
          %run_scoped3A_29 = tpu.sem_alloc : memref<!tpu.dma_semaphore, #tpu.memory_space<semaphore_mem>>
          %dma_start3A = arith.constant 0 : i32
          %dma_start3A_30 = tpu.memref_slice %arg2[%mul3A_27, %dma_start3A] : memref<320000x16xf32, #tpu.memory_space<hbm>> -> memref<128x16xf32, #tpu.memory_space<hbm>>
          %dma_start3A_31 = arith.constant 0 : i32
          %dma_start3A_32 = tpu.memref_slice %arg2[%mul3A_27, %dma_start3A_31] : memref<320000x16xf32, #tpu.memory_space<hbm>> -> memref<128x16xf32, #tpu.memory_space<hbm>>
          tpu.enqueue_dma source(%dma_start3A_32 : memref<128x16xf32, #tpu.memory_space<hbm>>) target(%arg7 : memref<128x16xf32, #tpu.memory_space<vmem>>) target_semaphore(%run_scoped3A_29 : memref<!tpu.dma_semaphore, #tpu.memory_space<semaphore_mem>>)
          %dma_wait3A = arith.constant 0 : i32
          %dma_wait3A_33 = tpu.memref_slice %arg2[%mul3A_27, %dma_wait3A] : memref<320000x16xf32, #tpu.memory_space<hbm>> -> memref<128x16xf32, #tpu.memory_space<hbm>>
          %dma_wait3A_34 = arith.constant 0 : i32
          %dma_wait3A_35 = tpu.memref_slice %arg2[%mul3A_27, %dma_wait3A_34] : memref<320000x16xf32, #tpu.memory_space<hbm>> -> memref<128x16xf32, #tpu.memory_space<hbm>>
          tpu.wait_dma2 semaphore(%run_scoped3A_29 : memref<!tpu.dma_semaphore, #tpu.memory_space<semaphore_mem>>) src(%dma_wait3A_35 : memref<128x16xf32, #tpu.memory_space<hbm>>) dst(%arg7 : memref<128x16xf32, #tpu.memory_space<vmem>>)
          tpu.yield
        }) : () -> ()
        %run_scoped3A_28 = arith.constant 0 : i32
        "tpu.region"() ({
          %run_scoped3A_29 = tpu.sem_alloc : memref<!tpu.dma_semaphore, #tpu.memory_space<semaphore_mem>>
          %dma_start3A = arith.constant 0 : i32
          %dma_start3A_30 = tpu.memref_slice %arg6[%run_scoped3A_28, %dma_start3A] : memref<1x128xi32, #tpu.memory_space<vmem>> -> memref<1x128xi32, #tpu.memory_space<vmem>>
          %dma_start3A_31 = tpu.memref_squeeze %dma_start3A_30 : memref<1x128xi32, #tpu.memory_space<vmem>> -> memref<128xi32, #tpu.memory_space<vmem>>
          %dma_start3A_32 = arith.constant 0 : i32
          %dma_start3A_33 = arith.constant 0 : i32
          %dma_start3A_34 = tpu.memref_slice %arg5[%dma_start3A_32, %dma_start3A_33] : memref<10000x16xf32, #tpu.memory_space<vmem_shared>> -> memref<10000x16xf32, #tpu.memory_space<vmem_shared>>
          tpu.enqueue_indirect_dma source(%arg7 : memref<128x16xf32, #tpu.memory_space<vmem>>) target(%dma_start3A_34 : memref<10000x16xf32, #tpu.memory_space<vmem_shared>>) offsets(%dma_start3A_31 : memref<128xi32, #tpu.memory_space<vmem>>) semaphore(%run_scoped3A_29 : memref<!tpu.dma_semaphore, #tpu.memory_space<semaphore_mem>>) {add = true}
          %dma_wait3A = arith.constant 0 : i32
          %dma_wait3A_35 = tpu.memref_slice %arg6[%run_scoped3A_28, %dma_wait3A] : memref<1x128xi32, #tpu.memory_space<vmem>> -> memref<1x128xi32, #tpu.memory_space<vmem>>
          %dma_wait3A_36 = tpu.memref_squeeze %dma_wait3A_35 : memref<1x128xi32, #tpu.memory_space<vmem>> -> memref<128xi32, #tpu.memory_space<vmem>>
          %dma_wait3A_37 = arith.constant 0 : i32
          %dma_wait3A_38 = arith.constant 0 : i32
          %dma_wait3A_39 = tpu.memref_slice %arg5[%dma_wait3A_37, %dma_wait3A_38] : memref<10000x16xf32, #tpu.memory_space<vmem_shared>> -> memref<10000x16xf32, #tpu.memory_space<vmem_shared>>
          tpu.wait_indirect_dma semaphore(%run_scoped3A_29 : memref<!tpu.dma_semaphore, #tpu.memory_space<semaphore_mem>>) src(%arg7 : memref<128x16xf32, #tpu.memory_space<vmem>>) dst(%dma_wait3A_39 : memref<10000x16xf32, #tpu.memory_space<vmem_shared>>)
          tpu.yield
        }) : () -> ()
      } else {
      }
    }
    %scan3A_14 = arith.constant 79 : i32
    %barrier3A_15 = arith.constant 0 : index
    tpu.barrier barrier_id(%barrier3A_15)
    %mul3A_16 = arith.constant 625 : i32
    %mul3A_17 = arith.muli %arg1, %mul3A_16 : i32
    "tpu.region"() ({
      %run_scoped3A = tpu.sem_alloc : memref<!tpu.dma_semaphore, #tpu.memory_space<semaphore_mem>>
      %dma_start3A = arith.constant 0 : i32
      %dma_start3A_20 = tpu.memref_slice %arg5[%mul3A_17, %dma_start3A] : memref<10000x16xf32, #tpu.memory_space<vmem_shared>> -> memref<625x16xf32, #tpu.memory_space<vmem_shared>>
      %dma_start3A_21 = arith.constant 0 : i32
      %dma_start3A_22 = tpu.memref_slice %arg5[%mul3A_17, %dma_start3A_21] : memref<10000x16xf32, #tpu.memory_space<vmem_shared>> -> memref<625x16xf32, #tpu.memory_space<vmem_shared>>
      tpu.enqueue_dma source(%dma_start3A_22 : memref<625x16xf32, #tpu.memory_space<vmem_shared>>) target(%arg8 : memref<625x16xf32, #tpu.memory_space<vmem>>) target_semaphore(%run_scoped3A : memref<!tpu.dma_semaphore, #tpu.memory_space<semaphore_mem>>)
      %dma_wait3A = arith.constant 0 : i32
      %dma_wait3A_23 = tpu.memref_slice %arg5[%mul3A_17, %dma_wait3A] : memref<10000x16xf32, #tpu.memory_space<vmem_shared>> -> memref<625x16xf32, #tpu.memory_space<vmem_shared>>
      %dma_wait3A_24 = arith.constant 0 : i32
      %dma_wait3A_25 = tpu.memref_slice %arg5[%mul3A_17, %dma_wait3A_24] : memref<10000x16xf32, #tpu.memory_space<vmem_shared>> -> memref<625x16xf32, #tpu.memory_space<vmem_shared>>
      tpu.wait_dma2 semaphore(%run_scoped3A : memref<!tpu.dma_semaphore, #tpu.memory_space<semaphore_mem>>) src(%dma_wait3A_25 : memref<625x16xf32, #tpu.memory_space<vmem_shared>>) dst(%arg8 : memref<625x16xf32, #tpu.memory_space<vmem>>)
      tpu.yield
    }) : () -> ()
    %mul3A_18 = arith.constant 625 : i32
    %mul3A_19 = arith.muli %arg1, %mul3A_18 : i32
    "tpu.region"() ({
      %run_scoped3A = tpu.sem_alloc : memref<!tpu.dma_semaphore, #tpu.memory_space<semaphore_mem>>
      %dma_start3A = arith.constant 0 : i32
      %dma_start3A_20 = tpu.memref_slice %arg4[%arg0, %mul3A_19, %dma_start3A] : memref<2x10000x16xf32, #tpu.memory_space<hbm>> -> memref<1x625x16xf32, #tpu.memory_space<hbm>>
      %dma_start3A_21 = tpu.memref_squeeze %dma_start3A_20 : memref<1x625x16xf32, #tpu.memory_space<hbm>> -> memref<625x16xf32, #tpu.memory_space<hbm>>
      %dma_start3A_22 = arith.constant 0 : i32
      %dma_start3A_23 = tpu.memref_slice %arg4[%arg0, %mul3A_19, %dma_start3A_22] : memref<2x10000x16xf32, #tpu.memory_space<hbm>> -> memref<1x625x16xf32, #tpu.memory_space<hbm>>
      %dma_start3A_24 = tpu.memref_squeeze %dma_start3A_23 : memref<1x625x16xf32, #tpu.memory_space<hbm>> -> memref<625x16xf32, #tpu.memory_space<hbm>>
      tpu.enqueue_dma source(%arg8 : memref<625x16xf32, #tpu.memory_space<vmem>>) target(%dma_start3A_24 : memref<625x16xf32, #tpu.memory_space<hbm>>) target_semaphore(%run_scoped3A : memref<!tpu.dma_semaphore, #tpu.memory_space<semaphore_mem>>)
      %dma_wait3A = arith.constant 0 : i32
      %dma_wait3A_25 = tpu.memref_slice %arg4[%arg0, %mul3A_19, %dma_wait3A] : memref<2x10000x16xf32, #tpu.memory_space<hbm>> -> memref<1x625x16xf32, #tpu.memory_space<hbm>>
      %dma_wait3A_26 = tpu.memref_squeeze %dma_wait3A_25 : memref<1x625x16xf32, #tpu.memory_space<hbm>> -> memref<625x16xf32, #tpu.memory_space<hbm>>
      %dma_wait3A_27 = arith.constant 0 : i32
      %dma_wait3A_28 = tpu.memref_slice %arg4[%arg0, %mul3A_19, %dma_wait3A_27] : memref<2x10000x16xf32, #tpu.memory_space<hbm>> -> memref<1x625x16xf32, #tpu.memory_space<hbm>>
      %dma_wait3A_29 = tpu.memref_squeeze %dma_wait3A_28 : memref<1x625x16xf32, #tpu.memory_space<hbm>> -> memref<625x16xf32, #tpu.memory_space<hbm>>
      tpu.wait_dma2 semaphore(%run_scoped3A : memref<!tpu.dma_semaphore, #tpu.memory_space<semaphore_mem>>) src(%arg8 : memref<625x16xf32, #tpu.memory_space<vmem>>) dst(%dma_wait3A_29 : memref<625x16xf32, #tpu.memory_space<hbm>>)
      tpu.yield
    }) : () -> ()
    return
  }
}

module attributes {stable_mosaic.version = 14 : i64} {
  func.func @body(%arg0: i32, %arg1: memref<3200x16xf32, #tpu.memory_space<vmem>>, %arg2: memref<3200x16xf32, #tpu.memory_space<vmem>>, %arg3: memref<3200x1xf32, #tpu.memory_space<vmem>>, %arg4: memref<16x256xf32, #tpu.memory_space<vmem>>, %arg5: memref<16x256xf32, #tpu.memory_space<vmem>>, %arg6: memref<1x256xf32, #tpu.memory_space<vmem>>, %arg7: memref<1x256xf32, #tpu.memory_space<vmem>>, %arg8: memref<256x2xf32, #tpu.memory_space<vmem>>, %arg9: memref<1x16xf32, #tpu.memory_space<vmem>>, %arg10: memref<1x16xf32, #tpu.memory_space<vmem>>, %arg11: memref<3200x16xf32, #tpu.memory_space<vmem>>) attributes {dimension_semantics = [#tpu.dimension_semantics<arbitrary>], iteration_bounds = array<i64: 100>, scalar_prefetch = 0 : i64, scratch_operands = 0 : i64, tpu.core_type = #tpu.core_type<tc>, window_params = [{transform_indices = @transform_0, window_bounds = array<i64: 3200, 16>}, {transform_indices = @transform_1, window_bounds = array<i64: 3200, 16>}, {transform_indices = @transform_2, window_bounds = array<i64: 3200, 1>}, {pipeline_mode = #tpu.pipeline_mode<synchronous>, transform_indices = @transform_3, window_bounds = array<i64: 16, 256>}, {pipeline_mode = #tpu.pipeline_mode<synchronous>, transform_indices = @transform_4, window_bounds = array<i64: 16, 256>}, {pipeline_mode = #tpu.pipeline_mode<synchronous>, transform_indices = @transform_5, window_bounds = array<i64: 1, 256>}, {pipeline_mode = #tpu.pipeline_mode<synchronous>, transform_indices = @transform_6, window_bounds = array<i64: 1, 256>}, {pipeline_mode = #tpu.pipeline_mode<synchronous>, transform_indices = @transform_7, window_bounds = array<i64: 256, 2>}, {pipeline_mode = #tpu.pipeline_mode<synchronous>, transform_indices = @transform_8, window_bounds = array<i64: 1, 16>}, {pipeline_mode = #tpu.pipeline_mode<synchronous>, transform_indices = @transform_9, window_bounds = array<i64: 1, 16>}, {transform_indices = @transform_10, window_bounds = array<i64: 3200, 16>}]} {
    %get3A = arith.constant 0 : index
    %get3A_0 = arith.constant 0 : index
    %get3A_1 = vector.load %arg1[%get3A, %get3A_0] : memref<3200x16xf32, #tpu.memory_space<vmem>>, vector<3200x16xf32>
    %get3A_2 = arith.constant 0 : index
    %get3A_3 = arith.constant 0 : index
    %get3A_4 = vector.load %arg2[%get3A_2, %get3A_3] : memref<3200x16xf32, #tpu.memory_space<vmem>>, vector<3200x16xf32>
    %get3A_5 = arith.constant 0 : index
    %get3A_6 = arith.constant 0 : index
    %get3A_7 = vector.load %arg5[%get3A_5, %get3A_6] : memref<16x256xf32, #tpu.memory_space<vmem>>, vector<16x256xf32>
    %dot_general3A = arith.constant dense<0.000000e+00> : vector<3200x256xf32>
    %dot_general3A_8 = tpu.matmul %get3A_4, %get3A_7, %dot_general3A {dimension_numbers = #tpu.dot_dimension_numbers<[1], [0], [0], [1], [0, 0, 1, 1], [], []>, precision = #tpu.contract_precision<fp32>, transpose_lhs_hint = false} : vector<3200x16xf32>, vector<16x256xf32>, vector<3200x256xf32> -> vector<3200x256xf32>
    %get3A_9 = arith.constant 0 : index
    %get3A_10 = arith.constant 0 : index
    %get3A_11 = vector.load %arg4[%get3A_9, %get3A_10] : memref<16x256xf32, #tpu.memory_space<vmem>>, vector<16x256xf32>
    %dot_general3A_12 = arith.constant dense<0.000000e+00> : vector<3200x256xf32>
    %dot_general3A_13 = tpu.matmul %get3A_1, %get3A_11, %dot_general3A_12 {dimension_numbers = #tpu.dot_dimension_numbers<[1], [0], [0], [1], [0, 0, 1, 1], [], []>, precision = #tpu.contract_precision<fp32>, transpose_lhs_hint = false} : vector<3200x16xf32>, vector<16x256xf32>, vector<3200x256xf32> -> vector<3200x256xf32>
    %add3A = arith.addf %dot_general3A_8, %dot_general3A_13 : vector<3200x256xf32>
    %get3A_14 = arith.constant 0 : index
    %get3A_15 = arith.constant 0 : index
    %get3A_16 = vector.load %arg3[%get3A_14, %get3A_15] : memref<3200x1xf32, #tpu.memory_space<vmem>>, vector<3200x1xf32>
    %get3A_17 = arith.constant 0 : index
    %get3A_18 = arith.constant 0 : index
    %get3A_19 = vector.load %arg6[%get3A_17, %get3A_18] : memref<1x256xf32, #tpu.memory_space<vmem>>, vector<1x256xf32>
    %mul3A = vector.broadcast %get3A_16 : vector<3200x1xf32> to vector<3200x256xf32>
    %mul3A_20 = vector.broadcast %get3A_19 : vector<1x256xf32> to vector<3200x256xf32>
    %mul3A_21 = arith.mulf %mul3A, %mul3A_20 : vector<3200x256xf32>
    %add3A_22 = arith.addf %add3A, %mul3A_21 : vector<3200x256xf32>
    %get3A_23 = arith.constant 0 : index
    %get3A_24 = arith.constant 0 : index
    %get3A_25 = vector.load %arg7[%get3A_23, %get3A_24] : memref<1x256xf32, #tpu.memory_space<vmem>>, vector<1x256xf32>
    %add3A_26 = vector.broadcast %get3A_25 : vector<1x256xf32> to vector<3200x256xf32>
    %add3A_27 = arith.addf %add3A_22, %add3A_26 : vector<3200x256xf32>
    %gt3A = arith.constant 0.000000e+00 : f32
    %gt3A_28 = vector.broadcast %gt3A : f32 to vector<3200x256xf32>
    %gt3A_29 = arith.cmpf ogt, %add3A_27, %gt3A_28 : vector<3200x256xf32>
    %mul3A_30 = arith.constant 2.000000e-01 : f32
    %mul3A_31 = vector.broadcast %mul3A_30 : f32 to vector<3200x256xf32>
    %mul3A_32 = arith.mulf %mul3A_31, %add3A_27 : vector<3200x256xf32>
    %select_n3A = arith.select %gt3A_29, %add3A_27, %mul3A_32 : vector<3200x256xi1>, vector<3200x256xf32>
    %get3A_33 = arith.constant 0 : index
    %get3A_34 = arith.constant 0 : index
    %get3A_35 = vector.load %arg8[%get3A_33, %get3A_34] : memref<256x2xf32, #tpu.memory_space<vmem>>, vector<256x2xf32>
    %dot_general3A_36 = arith.constant dense<0.000000e+00> : vector<3200x2xf32>
    %dot_general3A_37 = tpu.matmul %select_n3A, %get3A_35, %dot_general3A_36 {dimension_numbers = #tpu.dot_dimension_numbers<[1], [0], [0], [1], [0, 0, 1, 1], [], []>, precision = #tpu.contract_precision<fp32>, transpose_lhs_hint = false} : vector<3200x256xf32>, vector<256x2xf32>, vector<3200x2xf32> -> vector<3200x2xf32>
    %exp3A = math.exp %dot_general3A_37 : vector<3200x2xf32>
    %slice3A = vector.extract_strided_slice %exp3A {offsets = [0, 0], sizes = [3200, 1], strides = [1, 1]} : vector<3200x2xf32> to vector<3200x1xf32>
    %slice3A_38 = vector.extract_strided_slice %exp3A {offsets = [0, 1], sizes = [3200, 1], strides = [1, 1]} : vector<3200x2xf32> to vector<3200x1xf32>
    %get3A_39 = arith.constant 0 : index
    %get3A_40 = arith.constant 0 : index
    %get3A_41 = vector.load %arg9[%get3A_39, %get3A_40] : memref<1x16xf32, #tpu.memory_space<vmem>>, vector<1x16xf32>
    %mul3A_42 = vector.broadcast %get3A_41 : vector<1x16xf32> to vector<3200x16xf32>
    %mul3A_43 = arith.mulf %get3A_1, %mul3A_42 : vector<3200x16xf32>
    %get3A_44 = arith.constant 0 : index
    %get3A_45 = arith.constant 0 : index
    %get3A_46 = vector.load %arg10[%get3A_44, %get3A_45] : memref<1x16xf32, #tpu.memory_space<vmem>>, vector<1x16xf32>
    %add3A_47 = vector.broadcast %get3A_46 : vector<1x16xf32> to vector<3200x16xf32>
    %add3A_48 = arith.addf %mul3A_43, %add3A_47 : vector<3200x16xf32>
    %slice3A_49 = vector.extract_strided_slice %add3A_48 {offsets = [0, 11], sizes = [3200, 5], strides = [1, 1]} : vector<3200x16xf32> to vector<3200x5xf32>
    %slice3A_50 = vector.extract_strided_slice %add3A_48 {offsets = [0, 0], sizes = [3200, 11], strides = [1, 1]} : vector<3200x16xf32> to vector<3200x11xf32>
    %concatenate3A = tpu.concatenate %slice3A_49, %slice3A_50 in 1 : vector<3200x5xf32>, vector<3200x11xf32> -> vector<3200x16xf32>
    %iota3A = tpu.iota {dimensions = array<i32: 1>} : vector<3200x16xi32>
    %lt3A = arith.constant 5 : i32
    %lt3A_51 = vector.broadcast %lt3A : i32 to vector<3200x16xi32>
    %lt3A_52 = arith.cmpi slt, %iota3A, %lt3A_51 : vector<3200x16xi32>
    %jit3A = arith.constant 0.000000e+00 : f32
    %broadcast_in_dim3A = vector.broadcast %jit3A : f32 to vector<3200x16xf32>
    %select_n3A_53 = arith.select %lt3A_52, %add3A_48, %broadcast_in_dim3A : vector<3200x16xi1>, vector<3200x16xf32>
    %mul3A_54 = vector.broadcast %slice3A : vector<3200x1xf32> to vector<3200x16xf32>
    %mul3A_55 = arith.mulf %mul3A_54, %select_n3A_53 : vector<3200x16xf32>
    %ge3A = arith.constant 5 : i32
    %ge3A_56 = vector.broadcast %ge3A : i32 to vector<3200x16xi32>
    %ge3A_57 = arith.cmpi sge, %iota3A, %ge3A_56 : vector<3200x16xi32>
    %lt3A_58 = arith.constant 10 : i32
    %lt3A_59 = vector.broadcast %lt3A_58 : i32 to vector<3200x16xi32>
    %lt3A_60 = arith.cmpi slt, %iota3A, %lt3A_59 : vector<3200x16xi32>
    %and3A = arith.andi %ge3A_57, %lt3A_60 : vector<3200x16xi1>
    %jit3A_61 = arith.constant 0.000000e+00 : f32
    %broadcast_in_dim3A_62 = vector.broadcast %jit3A_61 : f32 to vector<3200x16xf32>
    %select_n3A_63 = arith.select %and3A, %concatenate3A, %broadcast_in_dim3A_62 : vector<3200x16xi1>, vector<3200x16xf32>
    %mul3A_64 = vector.broadcast %slice3A_38 : vector<3200x1xf32> to vector<3200x16xf32>
    %mul3A_65 = arith.mulf %mul3A_64, %select_n3A_63 : vector<3200x16xf32>
    %add3A_66 = arith.addf %mul3A_55, %mul3A_65 : vector<3200x16xf32>
    %eq3A = arith.constant 10 : i32
    %eq3A_67 = vector.broadcast %eq3A : i32 to vector<3200x16xi32>
    %eq3A_68 = arith.cmpi eq, %iota3A, %eq3A_67 : vector<3200x16xi32>
    %jit3A_69 = arith.constant 0.000000e+00 : f32
    %broadcast_in_dim3A_70 = vector.shape_cast %slice3A : vector<3200x1xf32> to vector<3200x1xf32>
    %broadcast_in_dim3A_71 = vector.broadcast %broadcast_in_dim3A_70 : vector<3200x1xf32> to vector<3200x16xf32>
    %broadcast_in_dim3A_72 = vector.broadcast %jit3A_69 : f32 to vector<3200x16xf32>
    %select_n3A_73 = arith.select %eq3A_68, %broadcast_in_dim3A_71, %broadcast_in_dim3A_72 : vector<3200x16xi1>, vector<3200x16xf32>
    %add3A_74 = arith.addf %add3A_66, %select_n3A_73 : vector<3200x16xf32>
    %eq3A_75 = arith.constant 11 : i32
    %eq3A_76 = vector.broadcast %eq3A_75 : i32 to vector<3200x16xi32>
    %eq3A_77 = arith.cmpi eq, %iota3A, %eq3A_76 : vector<3200x16xi32>
    %jit3A_78 = arith.constant 0.000000e+00 : f32
    %broadcast_in_dim3A_79 = vector.shape_cast %slice3A_38 : vector<3200x1xf32> to vector<3200x1xf32>
    %broadcast_in_dim3A_80 = vector.broadcast %broadcast_in_dim3A_79 : vector<3200x1xf32> to vector<3200x16xf32>
    %broadcast_in_dim3A_81 = vector.broadcast %jit3A_78 : f32 to vector<3200x16xf32>
    %select_n3A_82 = arith.select %eq3A_77, %broadcast_in_dim3A_80, %broadcast_in_dim3A_81 : vector<3200x16xi1>, vector<3200x16xf32>
    %add3A_83 = arith.addf %add3A_74, %select_n3A_82 : vector<3200x16xf32>
    %eq3A_84 = arith.constant 12 : i32
    %eq3A_85 = vector.broadcast %eq3A_84 : i32 to vector<3200x16xi32>
    %eq3A_86 = arith.cmpi eq, %iota3A, %eq3A_85 : vector<3200x16xi32>
    %jit3A_87 = arith.constant 1.000000e+00 : f32
    %jit3A_88 = arith.constant 0.000000e+00 : f32
    %broadcast_in_dim3A_89 = vector.broadcast %jit3A_87 : f32 to vector<3200x16xf32>
    %broadcast_in_dim3A_90 = vector.broadcast %jit3A_88 : f32 to vector<3200x16xf32>
    %select_n3A_91 = arith.select %eq3A_86, %broadcast_in_dim3A_89, %broadcast_in_dim3A_90 : vector<3200x16xi1>, vector<3200x16xf32>
    %add3A_92 = arith.addf %add3A_83, %select_n3A_91 : vector<3200x16xf32>
    %swap3A = arith.constant 0 : index
    %swap3A_93 = arith.constant 0 : index
    %swap3A_94 = vector.load %arg11[%swap3A, %swap3A_93] : memref<3200x16xf32, #tpu.memory_space<vmem>>, vector<3200x16xf32>
    tpu.vector_store %arg11[%swap3A, %swap3A_93], %add3A_92 {strides = array<i32>} : memref<3200x16xf32, #tpu.memory_space<vmem>>, vector<3200x16xf32>,
    return
  }
  func.func @transform_0(%arg0: i32) -> (i32, i32) {
    %c0_i32 = arith.constant 0 : i32
    %c0_i32_0 = arith.constant 0 : i32
    return %arg0, %c0_i32 : i32, i32
  }
  func.func @transform_1(%arg0: i32) -> (i32, i32) {
    %c0_i32 = arith.constant 0 : i32
    %c0_i32_0 = arith.constant 0 : i32
    return %arg0, %c0_i32 : i32, i32
  }
  func.func @transform_2(%arg0: i32) -> (i32, i32) {
    %c0_i32 = arith.constant 0 : i32
    %c0_i32_0 = arith.constant 0 : i32
    return %arg0, %c0_i32 : i32, i32
  }
  func.func @transform_3(%arg0: i32) -> (i32, i32) {
    %c0_i32 = arith.constant 0 : i32
    %c0_i32_0 = arith.constant 0 : i32
    %c0_i32_1 = arith.constant 0 : i32
    return %c0_i32, %c0_i32_0 : i32, i32
  }
  func.func @transform_4(%arg0: i32) -> (i32, i32) {
    %c0_i32 = arith.constant 0 : i32
    %c0_i32_0 = arith.constant 0 : i32
    %c0_i32_1 = arith.constant 0 : i32
    return %c0_i32, %c0_i32_0 : i32, i32
  }
  func.func @transform_5(%arg0: i32) -> (i32, i32) {
    %c0_i32 = arith.constant 0 : i32
    %c0_i32_0 = arith.constant 0 : i32
    %c0_i32_1 = arith.constant 0 : i32
    return %c0_i32, %c0_i32_0 : i32, i32
  }
  func.func @transform_6(%arg0: i32) -> (i32, i32) {
    %c0_i32 = arith.constant 0 : i32
    %c0_i32_0 = arith.constant 0 : i32
    %c0_i32_1 = arith.constant 0 : i32
    return %c0_i32, %c0_i32_0 : i32, i32
  }
  func.func @transform_7(%arg0: i32) -> (i32, i32) {
    %c0_i32 = arith.constant 0 : i32
    %c0_i32_0 = arith.constant 0 : i32
    %c0_i32_1 = arith.constant 0 : i32
    return %c0_i32, %c0_i32_0 : i32, i32
  }
  func.func @transform_8(%arg0: i32) -> (i32, i32) {
    %c0_i32 = arith.constant 0 : i32
    %c0_i32_0 = arith.constant 0 : i32
    %c0_i32_1 = arith.constant 0 : i32
    return %c0_i32, %c0_i32_0 : i32, i32
  }
  func.func @transform_9(%arg0: i32) -> (i32, i32) {
    %c0_i32 = arith.constant 0 : i32
    %c0_i32_0 = arith.constant 0 : i32
    %c0_i32_1 = arith.constant 0 : i32
    return %c0_i32, %c0_i32_0 : i32, i32
  }
  func.func @transform_10(%arg0: i32) -> (i32, i32) {
    %c0_i32 = arith.constant 0 : i32
    %c0_i32_0 = arith.constant 0 : i32
    return %arg0, %c0_i32 : i32, i32
  }
}

module attributes {stable_mosaic.version = 14 : i64} {
  func.func @body(%arg0: i32, %arg1: memref<2000x16xf32, #tpu.memory_space<vmem>>, %arg2: memref<2000x16xf32, #tpu.memory_space<vmem>>, %arg3: memref<16x128xf32, #tpu.memory_space<vmem>>, %arg4: memref<16x128xf32, #tpu.memory_space<vmem>>, %arg5: memref<1x128xf32, #tpu.memory_space<vmem>>, %arg6: memref<128x128xf32, #tpu.memory_space<vmem>>, %arg7: memref<1x128xf32, #tpu.memory_space<vmem>>, %arg8: memref<128x5xf32, #tpu.memory_space<vmem>>, %arg9: memref<1x5xf32, #tpu.memory_space<vmem>>, %arg10: memref<2000x5xf32, #tpu.memory_space<vmem>>) attributes {dimension_semantics = [#tpu.dimension_semantics<arbitrary>], iteration_bounds = array<i64: 5>, scalar_prefetch = 0 : i64, scratch_operands = 0 : i64, tpu.core_type = #tpu.core_type<tc>, window_params = [{transform_indices = @transform_0, window_bounds = array<i64: 2000, 16>}, {transform_indices = @transform_1, window_bounds = array<i64: 2000, 16>}, {pipeline_mode = #tpu.pipeline_mode<synchronous>, transform_indices = @transform_2, window_bounds = array<i64: 16, 128>}, {pipeline_mode = #tpu.pipeline_mode<synchronous>, transform_indices = @transform_3, window_bounds = array<i64: 16, 128>}, {pipeline_mode = #tpu.pipeline_mode<synchronous>, transform_indices = @transform_4, window_bounds = array<i64: 1, 128>}, {pipeline_mode = #tpu.pipeline_mode<synchronous>, transform_indices = @transform_5, window_bounds = array<i64: 128, 128>}, {pipeline_mode = #tpu.pipeline_mode<synchronous>, transform_indices = @transform_6, window_bounds = array<i64: 1, 128>}, {pipeline_mode = #tpu.pipeline_mode<synchronous>, transform_indices = @transform_7, window_bounds = array<i64: 128, 5>}, {pipeline_mode = #tpu.pipeline_mode<synchronous>, transform_indices = @transform_8, window_bounds = array<i64: 1, 5>}, {transform_indices = @transform_9, window_bounds = array<i64: 2000, 5>}]} {
    %get3A = arith.constant 0 : index
    %get3A_0 = arith.constant 0 : index
    %get3A_1 = vector.load %arg1[%get3A, %get3A_0] : memref<2000x16xf32, #tpu.memory_space<vmem>>, vector<2000x16xf32>
    %get3A_2 = arith.constant 0 : index
    %get3A_3 = arith.constant 0 : index
    %get3A_4 = vector.load %arg2[%get3A_2, %get3A_3] : memref<2000x16xf32, #tpu.memory_space<vmem>>, vector<2000x16xf32>
    %add3A = arith.addf %get3A_1, %get3A_4 : vector<2000x16xf32>
    %get3A_5 = arith.constant 0 : index
    %get3A_6 = arith.constant 0 : index
    %get3A_7 = vector.load %arg3[%get3A_5, %get3A_6] : memref<16x128xf32, #tpu.memory_space<vmem>>, vector<16x128xf32>
    %dot_general3A = arith.constant dense<0.000000e+00> : vector<2000x128xf32>
    %dot_general3A_8 = tpu.matmul %add3A, %get3A_7, %dot_general3A {dimension_numbers = #tpu.dot_dimension_numbers<[1], [0], [0], [1], [0, 0, 1, 1], [], []>, precision = #tpu.contract_precision<fp32>, transpose_lhs_hint = false} : vector<2000x16xf32>, vector<16x128xf32>, vector<2000x128xf32> -> vector<2000x128xf32>
    %get3A_9 = arith.constant 0 : index
    %get3A_10 = arith.constant 0 : index
    %get3A_11 = vector.load %arg4[%get3A_9, %get3A_10] : memref<16x128xf32, #tpu.memory_space<vmem>>, vector<16x128xf32>
    %dot_general3A_12 = arith.constant dense<0.000000e+00> : vector<2000x128xf32>
    %dot_general3A_13 = tpu.matmul %add3A, %get3A_11, %dot_general3A_12 {dimension_numbers = #tpu.dot_dimension_numbers<[1], [0], [0], [1], [0, 0, 1, 1], [], []>, precision = #tpu.contract_precision<fp32>, transpose_lhs_hint = false} : vector<2000x16xf32>, vector<16x128xf32>, vector<2000x128xf32> -> vector<2000x128xf32>
    %slice3A = vector.extract_strided_slice %add3A {offsets = [0, 10], sizes = [2000, 1], strides = [1, 1]} : vector<2000x16xf32> to vector<2000x1xf32>
    %slice3A_14 = vector.extract_strided_slice %add3A {offsets = [0, 11], sizes = [2000, 1], strides = [1, 1]} : vector<2000x16xf32> to vector<2000x1xf32>
    %slice3A_15 = vector.extract_strided_slice %add3A {offsets = [0, 12], sizes = [2000, 1], strides = [1, 1]} : vector<2000x16xf32> to vector<2000x1xf32>
    %add3A_16 = arith.constant 1.000000e-16 : f32
    %add3A_17 = vector.broadcast %add3A_16 : f32 to vector<2000x1xf32>
    %add3A_18 = arith.addf %slice3A, %add3A_17 : vector<2000x1xf32>
    %div3A = vector.broadcast %add3A_18 : vector<2000x1xf32> to vector<2000x128xf32>
    %div3A_19 = arith.divf %dot_general3A_8, %div3A : vector<2000x128xf32>
    %add3A_20 = arith.constant 1.000000e-16 : f32
    %add3A_21 = vector.broadcast %add3A_20 : f32 to vector<2000x1xf32>
    %add3A_22 = arith.addf %slice3A_14, %add3A_21 : vector<2000x1xf32>
    %div3A_23 = vector.broadcast %add3A_22 : vector<2000x1xf32> to vector<2000x128xf32>
    %div3A_24 = arith.divf %dot_general3A_13, %div3A_23 : vector<2000x128xf32>
    %add3A_25 = arith.addf %div3A_19, %div3A_24 : vector<2000x128xf32>
    %mul3A = arith.constant 5.000000e-01 : f32
    %mul3A_26 = vector.broadcast %mul3A : f32 to vector<2000x128xf32>
    %mul3A_27 = arith.mulf %add3A_25, %mul3A_26 : vector<2000x128xf32>
    %max3A = arith.constant 1.000000e+00 : f32
    %max3A_28 = vector.broadcast %max3A : f32 to vector<2000x1xf32>
    %max3A_29 = arith.maximumf %slice3A_15, %max3A_28 : vector<2000x1xf32>
    %div3A_30 = vector.broadcast %max3A_29 : vector<2000x1xf32> to vector<2000x128xf32>
    %div3A_31 = arith.divf %mul3A_27, %div3A_30 : vector<2000x128xf32>
    %get3A_32 = arith.constant 0 : index
    %get3A_33 = arith.constant 0 : index
    %get3A_34 = vector.load %arg5[%get3A_32, %get3A_33] : memref<1x128xf32, #tpu.memory_space<vmem>>, vector<1x128xf32>
    %add3A_35 = vector.broadcast %get3A_34 : vector<1x128xf32> to vector<2000x128xf32>
    %add3A_36 = arith.addf %div3A_31, %add3A_35 : vector<2000x128xf32>
    %get3A_37 = arith.constant 0 : index
    %get3A_38 = arith.constant 0 : index
    %get3A_39 = vector.load %arg6[%get3A_37, %get3A_38] : memref<128x128xf32, #tpu.memory_space<vmem>>, vector<128x128xf32>
    %dot_general3A_40 = arith.constant dense<0.000000e+00> : vector<2000x128xf32>
    %dot_general3A_41 = tpu.matmul %add3A_36, %get3A_39, %dot_general3A_40 {dimension_numbers = #tpu.dot_dimension_numbers<[1], [0], [0], [1], [0, 0, 1, 1], [], []>, precision = #tpu.contract_precision<fp32>, transpose_lhs_hint = false} : vector<2000x128xf32>, vector<128x128xf32>, vector<2000x128xf32> -> vector<2000x128xf32>
    %get3A_42 = arith.constant 0 : index
    %get3A_43 = arith.constant 0 : index
    %get3A_44 = vector.load %arg7[%get3A_42, %get3A_43] : memref<1x128xf32, #tpu.memory_space<vmem>>, vector<1x128xf32>
    %add3A_45 = vector.broadcast %get3A_44 : vector<1x128xf32> to vector<2000x128xf32>
    %add3A_46 = arith.addf %dot_general3A_41, %add3A_45 : vector<2000x128xf32>
    %gt3A = arith.constant 0.000000e+00 : f32
    %gt3A_47 = vector.broadcast %gt3A : f32 to vector<2000x128xf32>
    %gt3A_48 = arith.cmpf ogt, %add3A_46, %gt3A_47 : vector<2000x128xf32>
    %mul3A_49 = arith.constant 0.00999999977 : f32
    %mul3A_50 = vector.broadcast %mul3A_49 : f32 to vector<2000x128xf32>
    %mul3A_51 = arith.mulf %mul3A_50, %add3A_46 : vector<2000x128xf32>
    %select_n3A = arith.select %gt3A_48, %add3A_46, %mul3A_51 : vector<2000x128xi1>, vector<2000x128xf32>
    %get3A_52 = arith.constant 0 : index
    %get3A_53 = arith.constant 0 : index
    %get3A_54 = vector.load %arg8[%get3A_52, %get3A_53] : memref<128x5xf32, #tpu.memory_space<vmem>>, vector<128x5xf32>
    %dot_general3A_55 = arith.constant dense<0.000000e+00> : vector<2000x5xf32>
    %dot_general3A_56 = tpu.matmul %select_n3A, %get3A_54, %dot_general3A_55 {dimension_numbers = #tpu.dot_dimension_numbers<[1], [0], [0], [1], [0, 0, 1, 1], [], []>, precision = #tpu.contract_precision<fp32>, transpose_lhs_hint = false} : vector<2000x128xf32>, vector<128x5xf32>, vector<2000x5xf32> -> vector<2000x5xf32>
    %get3A_57 = arith.constant 0 : index
    %get3A_58 = arith.constant 0 : index
    %get3A_59 = vector.load %arg9[%get3A_57, %get3A_58] : memref<1x5xf32, #tpu.memory_space<vmem>>, vector<1x5xf32>
    %add3A_60 = vector.broadcast %get3A_59 : vector<1x5xf32> to vector<2000x5xf32>
    %add3A_61 = arith.addf %dot_general3A_56, %add3A_60 : vector<2000x5xf32>
    %swap3A = arith.constant 0 : index
    %swap3A_62 = arith.constant 0 : index
    %swap3A_63 = vector.load %arg10[%swap3A, %swap3A_62] : memref<2000x5xf32, #tpu.memory_space<vmem>>, vector<2000x5xf32>
    tpu.vector_store %arg10[%swap3A, %swap3A_62], %add3A_61 {strides = array<i32>} : memref<2000x5xf32, #tpu.memory_space<vmem>>, vector<2000x5xf32>,
    return
  }
  func.func @transform_0(%arg0: i32) -> (i32, i32) {
    %c0_i32 = arith.constant 0 : i32
    %c0_i32_0 = arith.constant 0 : i32
    return %arg0, %c0_i32 : i32, i32
  }
  func.func @transform_1(%arg0: i32) -> (i32, i32) {
    %c0_i32 = arith.constant 0 : i32
    %c0_i32_0 = arith.constant 0 : i32
    return %arg0, %c0_i32 : i32, i32
  }
  func.func @transform_2(%arg0: i32) -> (i32, i32) {
    %c0_i32 = arith.constant 0 : i32
    %c0_i32_0 = arith.constant 0 : i32
    %c0_i32_1 = arith.constant 0 : i32
    return %c0_i32, %c0_i32_0 : i32, i32
  }
  func.func @transform_3(%arg0: i32) -> (i32, i32) {
    %c0_i32 = arith.constant 0 : i32
    %c0_i32_0 = arith.constant 0 : i32
    %c0_i32_1 = arith.constant 0 : i32
    return %c0_i32, %c0_i32_0 : i32, i32
  }
  func.func @transform_4(%arg0: i32) -> (i32, i32) {
    %c0_i32 = arith.constant 0 : i32
    %c0_i32_0 = arith.constant 0 : i32
    %c0_i32_1 = arith.constant 0 : i32
    return %c0_i32, %c0_i32_0 : i32, i32
  }
  func.func @transform_5(%arg0: i32) -> (i32, i32) {
    %c0_i32 = arith.constant 0 : i32
    %c0_i32_0 = arith.constant 0 : i32
    %c0_i32_1 = arith.constant 0 : i32
    return %c0_i32, %c0_i32_0 : i32, i32
  }
  func.func @transform_6(%arg0: i32) -> (i32, i32) {
    %c0_i32 = arith.constant 0 : i32
    %c0_i32_0 = arith.constant 0 : i32
    %c0_i32_1 = arith.constant 0 : i32
    return %c0_i32, %c0_i32_0 : i32, i32
  }
  func.func @transform_7(%arg0: i32) -> (i32, i32) {
    %c0_i32 = arith.constant 0 : i32
    %c0_i32_0 = arith.constant 0 : i32
    %c0_i32_1 = arith.constant 0 : i32
    return %c0_i32, %c0_i32_0 : i32, i32
  }
  func.func @transform_8(%arg0: i32) -> (i32, i32) {
    %c0_i32 = arith.constant 0 : i32
    %c0_i32_0 = arith.constant 0 : i32
    %c0_i32_1 = arith.constant 0 : i32
    return %c0_i32, %c0_i32_0 : i32, i32
  }
  func.func @transform_9(%arg0: i32) -> (i32, i32) {
    %c0_i32 = arith.constant 0 : i32
    %c0_i32_0 = arith.constant 0 : i32
    return %arg0, %c0_i32 : i32, i32
  }
}

</mosaic_0001>

<sc_bundles>
// kernel: kernel.6.cloned.1.call-start
scs
__scs_entry_jumppad:
0x0: {  	(pc) =	sbr.rel $0x88, $3  }
0x1: {  	(tag) =	ssettag $0x0;
	lr =	simm.s32 $0x1  }
0x2: {  	[smem:$0x3F8F] =	sst lr;
	_ =	strace $0xD0000000  }
0x3: {  	_ = 	snop  }
0x4: {  	_ = 	snop  }
0x5: {  	_ = 	snop  }
0x6: {  	_ = 	snop  }
0x7: {  	_ = 	snop  }
__scs_overlays_trampoline_lowered:
0x8: {  	[smem:$0x3F9E] =	sst s0  }
0x9: {  	[smem:$0x3F9F] =	sst s1  }
0xa: {  	[smem:$0x3FA0] =	sst s2  }
0xb: {  	[smem:$0x3FA1] =	sst s3  }
0xc: {  	[smem:$0x3FA2] =	sst s4  }
0xd: {  	[smem:$0x3FA3] =	sst s5  }
0xe: {  	[smem:$0x3FA4] =	sst s6  }
0xf: {  	[smem:$0x3FA5] =	sst s7  }
0x10: {  	[smem:$0x3FA6] =	sst s8  }
0x11: {  	[smem:$0x3FA7] =	sst s9;
	s0 =	simm.s32 @!p0 $0x0  }
0x12: {  	s1 =	sld [smem:$0x3F8D];
	s0 =	simm.s32 @p0 $0x1  }
0x13: {  	[smem:$0x3FA8] =	sst s0;
	s0 =	simm.s32 @!p1 $0x0  }
0x14: {  	s2 =	sld [smem:$0x3F8C];
	s0 =	simm.s32 @p1 $0x1  }
0x15: {  	[smem:$0x3FA9] =	sst s0;
	s0 =	simm.s32 @!p2 $0x0  }
0x16: {  	s3 =	sld [smem:$0x3FDB];
	s0 =	simm.s32 @p2 $0x1  }
0x17: {  	s4 =	simm.s32 $0x1BF5;
	[smem:$0x3FAB] =	sst s0  }
0x18: {  	s0 =	sld [smem:$0x3F8E];
	_ =	swait.ge [sflag:s4], $0x0  }
0x19: {  	s7 =	sld [smem:$0x3F8F]  }
0x1a: {  	s8 =	sadd.s32 $0xFFFFE003, lr  }
0x1b: {  	s9 =	sadd.s32 $0xFFFFFEF7, lr;
	s5 =	simm.s32 $0xFFFFFFFF;
	p2 =	slt.u32 s8, $0xFFFFF086  }
0x1c: {  	p1 =	slt.u32 s9, $0xF7A;
	s5 =	simm.s32 @!p2 $0x0  }
0x1d: {  	s5 =	simm.s32 @p1 $0x1;
	p0 =	seq.s32 s7, s2  }
0x1e: {  	s7 =	smul.u32 @!p0 $0xF7A, s2;
	p2 =	seq.s32 @!p0 s5, $0x0  }
0x1f: {  	s9 =	smul.u32 $0xF7A, s1;
	s8 =	simm.s32 @!p0 $0x1BF5;
	p2 =	por !p2, p0  }
0x20: {  	[sflag:s8] =	ssyncset.s32 @!p0 $0xFFFFF086;
	s6 =	sadd.s32 @!p0 s3, s7;
	s7 =	simm.s32 @!p0 $0x108  }
0x21: {  	s3 =	sadd.s32 s3, s9;
	s6 =	sadd.s32 @!p0 $0x88, s6;
	s7 =	simm.s32 @p2 $0x1082  }
0x22: {  	[simem:s7], [sflag:s8] =	dma.local @!p0 [hbm:s6], $0xF7A  }
0x23: {  	s9 =	sor.u32 $0xD0000000, s2;
	s6 =	simm.s32 $0x108;
	_ =	swait.ge @!p0 [sflag:s8], $0x0  }
0x24: {  	s3 =	sadd.s32 $0x88, s3;
	s6 =	simm.s32 @!p1 $0x1082;
	[sflag:s4] =	ssyncset.s32 $0xFFFFF086  }
0x25: {  	[simem:s6], [sflag:s4] =	dma.local [hbm:s3], $0xF7A  }
0x26: {  	[smem:$0x3F8F] =	sst s1;
	(tag) =	ssettag s2;
	_ =	strace s9  }
0x27: {  	s1 =	sld [smem:$0x3F9F]  }
0x28: {  	s2 =	sld [smem:$0x3FA0]  }
0x29: {  	s4 =	sld [smem:$0x3FA2]  }
0x2a: {  	p0 =	seq.s32 s5, $0x0;
	s5 =	sld [smem:$0x3FA3]  }
0x2b: {  	s6 =	sld [smem:$0x3FA4]  }
0x2c: {  	s7 =	sld [smem:$0x3FA5]  }
0x2d: {  	s3 =	simm.s32 $0x108;
	s8 =	sld [smem:$0x3FA6]  }
0x2e: {  	s3 =	simm.s32 @!p0 $0x1082;
	s9 =	sld [smem:$0x3FA7]  }
0x2f: {  	lr =	sadd.s32 s0, s3;
	s0 =	sld [smem:$0x3F9E]  }
0x30: {  	s3 =	sld [smem:$0x3FA1]  }
0x31: {  	[smem:$0x3FAA] =	sst s10  }
0x32: {  	s10 =	sld [smem:$0x3FA8];
	_ =	sdelay $0x3  }
0x33: {  	p0 =	seq.s32 s10, $0x1;
	s10 =	sld [smem:$0x3FAA];
	_ =	sdelay $0x3  }
0x34: {  	[smem:$0x3FAA] =	sst s10  }
0x35: {  	s10 =	sld [smem:$0x3FA9];
	_ =	sdelay $0x3  }
0x36: {  	p1 =	seq.s32 s10, $0x1;
	s10 =	sld [smem:$0x3FAA];
	_ =	sdelay $0x3  }
0x37: {  	[smem:$0x3FAA] =	sst s10  }
0x38: {  	s10 =	sld [smem:$0x3FAB]  }
0x39: {  	_ = 	snop;
	(pc) =	sbr.ind lr, $3  }
0x3a: {  	_ = 	snop  }
0x3b: {  	_ = 	snop  }
0x3c: {  	p2 =	seq.s32 s10, $0x1;
	s10 =	sld [smem:$0x3FAA]  }
0x3d: {  	_ =	shalt  }
0x3e: {  	_ =	shalt  }
0x3f: {  	_ =	shalt  }
0x40: {  	_ =	shalt  }
0x41: {  	_ =	shalt  }
0x42: {  	_ =	shalt  }
0x43: {  	_ =	shalt  }
0x44: {  	_ =	shalt  }
0x45: {  	_ =	shalt  }
0x46: {  	_ =	shalt  }
0x47: {  	_ =	shalt  }
0x48: {  	_ =	shalt  }
0x49: {  	_ =	shalt  }
0x4a: {  	_ =	shalt  }
0x4b: {  	_ =	shalt  }
0x4c: {  	_ =	shalt  }
0x4d: {  	_ =	shalt  }
0x4e: {  	_ =	shalt  }
0x4f: {  	_ =	shalt  }
0x50: {  	_ =	shalt  }
0x51: {  	_ =	shalt  }
0x52: {  	_ =	shalt  }
0x53: {  	_ =	shalt  }
0x54: {  	_ =	shalt  }
0x55: {  	_ =	shalt  }
0x56: {  	_ =	shalt  }
0x57: {  	_ =	shalt  }
0x58: {  	_ =	shalt  }
0x59: {  	_ =	shalt  }
0x5a: {  	_ =	shalt  }
0x5b: {  	_ =	shalt  }
0x5c: {  	_ =	shalt  }
0x5d: {  	_ =	shalt  }
0x5e: {  	_ =	shalt  }
0x5f: {  	_ =	shalt  }
0x60: {  	_ =	shalt  }
0x61: {  	_ =	shalt  }
0x62: {  	_ =	shalt  }
0x63: {  	_ =	shalt  }
0x64: {  	_ =	shalt  }
0x65: {  	_ =	shalt  }
0x66: {  	_ =	shalt  }
0x67: {  	_ =	shalt  }
0x68: {  	_ =	shalt  }
0x69: {  	_ =	shalt  }
0x6a: {  	_ =	shalt  }
0x6b: {  	_ =	shalt  }
0x6c: {  	_ =	shalt  }
0x6d: {  	_ =	shalt  }
0x6e: {  	_ =	shalt  }
0x6f: {  	_ =	shalt  }
0x70: {  	_ =	shalt  }
0x71: {  	_ =	shalt  }
0x72: {  	_ =	shalt  }
0x73: {  	_ =	shalt  }
0x74: {  	_ =	shalt  }
0x75: {  	_ =	shalt  }
0x76: {  	_ =	shalt  }
0x77: {  	_ =	shalt  }
0x78: {  	_ =	shalt  }
0x79: {  	_ =	shalt  }
0x7a: {  	_ =	shalt  }
0x7b: {  	_ =	shalt  }
0x7c: {  	_ =	shalt  }
0x7d: {  	_ =	shalt  }
0x7e: {  	_ =	shalt  }
0x7f: {  	_ =	shalt  }
0x80: {  	_ =	shalt  }
0x81: {  	_ =	shalt  }
0x82: {  	_ =	shalt  }
0x83: {  	_ =	shalt  }
0x84: {  	_ =	shalt  }
0x85: {  	_ =	shalt  }
0x86: {  	_ =	shalt  }
0x87: {  	_ =	shalt  }
.Lfunc_end0:
.L_simem_size_0:
called_computation_lowered:
.L_overlay_start_0:
0x88: {  	s2 =	sld [smem:$0x3FD9]  }
0x89: {  	s3 =	sld [smem:$0x3FFE];
	_ =	sdelay $0x1  }
0x8a: {  	s1 =	srdreg.scid  }
0x8b: {  	s0 =	sand.u32 $0x1, s1  }
0x8c: {  	s16 =	sshll.u32 s0, $0xA;
	s2 =	sadd.s32 s3, s2  }
0x8d: {  	s2 =	sadd.s32 s2, s16  }
0x8e: {  	[smem:$0x3FB6] =	sst s2  }
0x8f: {  	_ = 	snop  }
0x90: {  	(tm) =	ssettm $0x1  }
0x91: {  	s17 =	sld [smem:$0x3FFB];
	_ =	sdelay $0x3  }
0x92: {  	_ =	strace s17  }
0x93: {  	s2 =	sld [smem:$0x3FFC];
	_ =	sdelay $0x3  }
0x94: {  	_ =	strace s2  }
0x95: {  	s2 =	sld [smem:$0x3FFD];
	_ =	sdelay $0x3  }
0x96: {  	_ =	strace s2  }
0x97: {  	_ =	strace $0x8FFFFFFF  }
0x98: {  	s18 =	sld [smem:$0x3FDB];
	_ =	sdelay $0x1  }
0x99: {  	s19 =	simm.s32 $_scs_section_size  }
0x9a: {  	s4 =	simm.s32 $_size__tile_overlayer_lowered;
	s5 =	simm.s32 $_tile_overlayer_lowered  }
0x9b: {  	s22 =	simm.s32 $0x1BFF;
	s21 =	sshll.u32 s5, $0x1;
	s2 =	sadd.s32 s19, s18  }
0x9c: {  	s6 =	simm.s32 $0x0;
	s20 =	sshll.u32 s4, $0x1;
	s4 =	sadd.s32 s21, s2  }
0x9d: {  	[timem:s6], [sflag:s22] =	dma.local [hbm:s4], s20  }
0x9e: {  	_ =	swait.ge [sflag:s22], s20  }
0x9f: {  	s3 =	ssub.s32 $0x0, s20;
	[sflag:s22] =	ssyncset.done $0x0  }
0xa0: {  	[sflag:s22] =	ssyncadd.s32 s3;
	_ =	sdelay $0x1  }
0xa1: {  	s23 =	simm.s32 $0x1B8B  }
0xa2: {  	_ =	swait.ge [sflag:s23], $0x1  }
0xa3: {  	[sflag:s23] =	ssyncset.done $0x0  }
0xa4: {  	s25 =	simm.s32 $0x1B8E;
	s24 =	sld [smem:$0x3FFE];
	[sflag:s23] =	ssyncadd.s32 $0xFFFFFFFF  }
0xa5: {  	s26 =	simm.s32 $execute0_lowered;
	[smem:$0x3FD2] =	sst s25  }
0xa6: {  	s4 =	sshll.u32 s26, $0x1;
	_ =	strace $0x80000046;
	[dreg:$0x1] =	wrdreg $0xFFFFFFFF  }
0xa7: {  	s28 =	simm.s32 $_size_execute0_lowered;
	s2 =	sadd.s32 s2, s4;
	[dreg:$0x0] =	wrdreg $0x0  }
0xa8: {  	s4 =	sshll.u32 s28, $0x1;
	[dreg:$0x2] =	wrdreg s2  }
0xa9: {  	[dreg:$0x3] =	wrdreg s4  }
0xaa: {  	[dreg:$0x4] =	wrdreg $0xC0  }
0xab: {  	_ =	task [dreg:s6], $0x5FFFF  }
0xac: {  	[dreg:$0x1] =	wrdreg $0xFFFFFFFF  }
0xad: {  	[dreg:$0x0] =	wrdreg $0x60  }
0xae: {  	[dreg:$0x2] =	wrdreg s24  }
0xaf: {  	[dreg:$0x3] =	wrdreg $0x9  }
0xb0: {  	_ =	task.clear_ibuf [dreg:s6], $0x4FFFF;
	_ =	strace $0x90000046  }
0xb1: {  	s29 =	simm.s32 $0x9;
	_ =	strace $0x80000048  }
0xb2: {  	_ =	swait.ge [sflag:s29], $0x1  }
0xb3: {  	[sflag:s29] =	ssyncadd.s32 $0xFFFFFFFF  }
0xb4: {  	_ =	strace $0x90000048  }
0xb5: {  	_ =	sfence  }
0xb6: {  	s30 =	sld [smem:$0x0];
	_ =	sdelay $0x2  }
0xb7: {  	s31 =	sshll.u32 s1, $0xD;
	s1 =	sshrl.u32 s1, $0x2  }
0xb8: {  	s3 =	sand.u32 $0x4000, s31;
	s1 =	sadd.s32 s1, s30  }
0xb9: {  	s0 =	sor.u32 s3, s0;
	s1 =	sshll.u32 s1, $0x11  }
0xba: {  	s0 =	sor.u32 s1, s0  }
0xbb: {  	s0 =	sadd.s32 $0x8F2B, s0  }
0xbc: {  	[sflag:s0] =	ssyncadd.remote.s32 $0x1  }
0xbd: {  	_ =	sfence.sel $0xFFFF  }
0xbe: {  	[dreg:$0x0] =	wrdreg $0xFFFFFFFF;
	(pc) =	sbr.abs _section_cstart, $3  }
0xbf: {  	[dreg:$0x1] =	wrdreg $0xFFFFFFFF  }
0xc0: {  	_ =	task.clear_ibuf [dreg:s6], $0x2FFFF;
	_ =	strace $0x9FFFFFFF  }
0xc1: {  	(tm) =	ssettm $0x7FFFFFFF  }
tec
execute0_lowered:
.L_overlay_start_1:
0x0: {  	(tag) =	ssettag $0x1  }
0x1: {  	s4 =	rddreg [dreg:$0x0]  }
0x2: {  	s0 =	rddreg [dreg:$0x1]  }
0x3: {  	s2 =	simm.s32 $0x0;
	s3 =	srdreg.scid;
	s1 =	stileid.u32  }
0x4: {  	[smem:$0x7FF] =	sst s2;
	s5 =	sand.u32 $0x1, s3;
	s3 =	sadd.s32 $0x17600, s4  }
0x5: {  	s6 =	sshll.u32 s1, $0x5;
	s8 =	sshll.u32 s1, $0x9;
	_ =	strace $0x80000047  }
0x6: {  	s7 =	ssub.s32 $0x2, s5;
	s6 =	sadd.s32 s6, s4;
	s8 =	sadd.s32 s8, s4  }
0x7: {  	s31 =	sshll.u32 s5, $0x4;
	s10 =	sshll.u32 s5, $0x8;
	s9 =	sshrl.u32 s7, $0x1  }
0x8: {  	s4 =	sshll.u32 s1, $0x1;
	s10 =	sadd.s32 s10, s8;
	s7 =	ssub.s32 s7, s9  }
0x9: {  	s9 =	sadd.s32 s31, s6;
	s8 =	sadd.s32 $0x1C600, s10;
	s5 =	smax.u32 s7, $0x1  }
0xa: {  	s6 =	sadd.s32 $0xD800, s9;
	s7 =	sadd.s32 $0x3A00, s9;
	s9 =	sadd.s32 $0xB8A00, s10  }
.LBB2_1:
0xb: {  	p0 =	sgt.u32 s4, $0x9C3  }
0xc: {  	s10 =	sadd.s32 @!p0 $0x0, s7;
	s12 =	simm.s32 @!p0 $0x0;
	s11 =	simm.s32 @!p0 $0x3  }
0xd: {  	[tilespmem:s12], [sflag:$0x3] =	stream.linear.gather @!p0 [hbm4b:s10+s12], $0x80, $0x38;
	[tilespmem:$0x880] =	vst v63  }
0xe: {  	_ =	swait.ge @!p0 [sflag:s11], $0x80;
	p0 =	por p0, p0  }
0xf: {  	[sflag:s11] =	ssyncset.done @!p0 $0x0  }
0x10: {  	s10 =	simm.s32 @!p0 $0x80;
	s14 =	simm.s32 @!p0 $0x1;
	[sflag:s11] =	ssyncadd.s32 @!p0 $0xFFFFFF80  }
0x11: {  	[tilespmem:s10], [sflag:$0x1] =	stream.indirect.gather @!p0 [hbm4b:s3+s10], $0x10, s12, s10, $0xb8;
	[tilespmem:$0x880] =	vst v63  }
0x12: {  	_ =	swait.ge @!p0 [sflag:s14], $0x800  }
0x13: {  	[sflag:s14] =	ssyncset.done @!p0 $0x0  }
0x14: {  	[sflag:s14] =	ssyncadd.s32 @!p0 $0xFFFFF800  }
0x15: {  	[hbm4b:s9+s12] =	stream.linear.scatter @!p0 [tilespmem:s10], [sflag:$0x3], $0x800, $0x38;
	[tilespmem:$0x880] =	vst v63  }
0x16: {  	_ =	swait.ge @!p0 [sflag:s11], $0x800  }
0x17: {  	[sflag:s11] =	ssyncset.done @!p0 $0x0  }
0x18: {  	s13 =	sadd.s32 @!p0 $0x0, s6;
	[sflag:s11] =	ssyncadd.s32 @!p0 $0xFFFFF800  }
0x19: {  	[tilespmem:s12], [sflag:$0x3] =	stream.linear.gather @!p0 [hbm4b:s13+s12], $0x80, $0x38;
	[tilespmem:$0x880] =	vst v63  }
0x1a: {  	_ =	swait.ge @!p0 [sflag:s11], $0x80  }
0x1b: {  	[sflag:s11] =	ssyncset.done @!p0 $0x0  }
0x1c: {  	[sflag:s11] =	ssyncadd.s32 @!p0 $0xFFFFFF80  }
0x1d: {  	[tilespmem:s10], [sflag:$0x1] =	stream.indirect.gather @!p0 [hbm4b:s3+s10], $0x10, s12, s10, $0xb8;
	[tilespmem:$0x880] =	vst v63  }
0x1e: {  	_ =	swait.ge @!p0 [sflag:s14], $0x800  }
0x1f: {  	[sflag:s14] =	ssyncset.done @!p0 $0x0  }
0x20: {  	s15 =	simm.s32 @!p0 $0x2;
	s13 =	simm.s32 $0x400;
	[sflag:s14] =	ssyncadd.s32 @!p0 $0xFFFFF800  }
0x21: {  	[hbm4b:s8+s12] =	stream.linear.scatter @!p0 [tilespmem:s10], [sflag:$0x2], $0x800, $0x38;
	[tilespmem:$0x880] =	vst v63  }
0x22: {  	s11 =	simm.s32 $0x200;
	s14 =	sadd.s32 $0x20, s4;
	s12 =	sadd.s32 $0x2000, s9  }
0x23: {  	p2 =	sgt.u32 s14, $0x9C3;
	s10 =	sadd.s32 $0x2000, s8;
	_ =	swait.ge @!p0 [sflag:s15], $0x800  }
.LBB2_2:
0x24: {  	s16 =	sadd.s32 @!p2 s11, s7  }
0x25: {  	s17 =	simm.s32 @!p2 $0x0;
	[sflag:s15] =	ssyncset.done @!p0 $0x0;
	s18 =	smov.u32 s13  }
0x26: {  	s13 =	sadd.s32 $0x200, s13;
	s19 =	simm.s32 @!p2 $0x3;
	[sflag:s15] =	ssyncadd.s32 @!p0 $0xFFFFF800  }
0x27: {  	[tilespmem:s17], [sflag:$0x3] =	stream.linear.gather @!p2 [hbm4b:s16+s17], $0x80, $0x38;
	[tilespmem:$0x880] =	vst v63  }
0x28: {  	p1 =	sne.s32 s13, $0x9E00;
	p0 =	por p2, p2;
	_ =	swait.ge @!p2 [sflag:s19], $0x80  }
0x29: {  	[sflag:s19] =	ssyncset.done @!p0 $0x0  }
0x2a: {  	s16 =	simm.s32 @!p0 $0x80;
	s15 =	simm.s32 @!p0 $0x1;
	[sflag:s19] =	ssyncadd.s32 @!p0 $0xFFFFFF80  }
0x2b: {  	[tilespmem:s16], [sflag:$0x1] =	stream.indirect.gather @!p0 [hbm4b:s3+s16], $0x10, s17, s16, $0xb8;
	[tilespmem:$0x880] =	vst v63  }
0x2c: {  	_ =	swait.ge @!p0 [sflag:s15], $0x800  }
0x2d: {  	[sflag:s15] =	ssyncset.done @!p0 $0x0  }
0x2e: {  	[sflag:s15] =	ssyncadd.s32 @!p0 $0xFFFFF800  }
0x2f: {  	[hbm4b:s12+s17] =	stream.linear.scatter @!p0 [tilespmem:s16], [sflag:$0x3], $0x800, $0x38;
	[tilespmem:$0x880] =	vst v63  }
0x30: {  	_ =	swait.ge @!p0 [sflag:s19], $0x800  }
0x31: {  	[sflag:s19] =	ssyncset.done @!p0 $0x0  }
0x32: {  	s20 =	sadd.s32 @!p0 s11, s6;
	s11 =	smov.u32 s18;
	[sflag:s19] =	ssyncadd.s32 @!p0 $0xFFFFF800  }
0x33: {  	[tilespmem:s17], [sflag:$0x3] =	stream.linear.gather @!p0 [hbm4b:s20+s17], $0x80, $0x38;
	[tilespmem:$0x880] =	vst v63  }
0x34: {  	_ =	swait.ge @!p0 [sflag:s19], $0x80  }
0x35: {  	[sflag:s19] =	ssyncset.done @!p0 $0x0  }
0x36: {  	[sflag:s19] =	ssyncadd.s32 @!p0 $0xFFFFFF80  }
0x37: {  	[tilespmem:s16], [sflag:$0x1] =	stream.indirect.gather @!p0 [hbm4b:s3+s16], $0x10, s17, s16, $0xb8;
	[tilespmem:$0x880] =	vst v63  }
.Ltmp0:
0x38: {  	_ =	swait.ge @!p0 [sflag:s15], $0x800;
	(pc) =	sbr.rel @p1 .LBB2_2-.Ltmp0, $4  }
0x39: {  	s12 =	sadd.s32 $0x2000, s12;
	[sflag:s15] =	ssyncset.done @!p0 $0x0  }
0x3a: {  	s14 =	sadd.s32 $0x20, s14;
	[sflag:s15] =	ssyncadd.s32 @!p0 $0xFFFFF800;
	s15 =	simm.s32 @!p0 $0x2  }
0x3b: {  	[hbm4b:s10+s17] =	stream.linear.scatter @!p0 [tilespmem:s16], [sflag:$0x2], $0x800, $0x38;
	[tilespmem:$0x880] =	vst v63  }
0x3c: {  	p2 =	sgt.u32 s14, $0x9C3;
	s10 =	sadd.s32 $0x2000, s10;
	_ =	swait.ge @!p0 [sflag:s15], $0x800  }
0x3d: {  	s13 =	sadd.s32 @!p2 s11, s7;
	[sflag:s15] =	ssyncset.done @!p0 $0x0  }
0x3e: {  	s14 =	simm.s32 @!p2 $0x0;
	s16 =	simm.s32 @!p2 $0x3;
	[sflag:s15] =	ssyncadd.s32 @!p0 $0xFFFFF800  }
0x3f: {  	[tilespmem:s14], [sflag:$0x3] =	stream.linear.gather @!p2 [hbm4b:s13+s14], $0x80, $0x38;
	[tilespmem:$0x880] =	vst v63  }
0x40: {  	p0 =	por p2, p2;
	_ =	swait.ge @!p2 [sflag:s16], $0x80  }
0x41: {  	[sflag:s16] =	ssyncset.done @!p0 $0x0  }
0x42: {  	s13 =	simm.s32 @!p0 $0x80;
	s15 =	simm.s32 @!p0 $0x1;
	[sflag:s16] =	ssyncadd.s32 @!p0 $0xFFFFFF80  }
0x43: {  	[tilespmem:s13], [sflag:$0x1] =	stream.indirect.gather @!p0 [hbm4b:s3+s13], $0x10, s14, s13, $0xb8;
	[tilespmem:$0x880] =	vst v63  }
0x44: {  	_ =	swait.ge @!p0 [sflag:s15], $0x800  }
0x45: {  	[sflag:s15] =	ssyncset.done @!p0 $0x0  }
0x46: {  	[sflag:s15] =	ssyncadd.s32 @!p0 $0xFFFFF800  }
0x47: {  	[hbm4b:s12+s14] =	stream.linear.scatter @!p0 [tilespmem:s13], [sflag:$0x3], $0x800, $0x38;
	[tilespmem:$0x880] =	vst v63  }
0x48: {  	_ =	swait.ge @!p0 [sflag:s16], $0x800  }
0x49: {  	[sflag:s16] =	ssyncset.done @!p0 $0x0  }
0x4a: {  	s11 =	sadd.s32 @!p0 s11, s6;
	[sflag:s16] =	ssyncadd.s32 @!p0 $0xFFFFF800  }
0x4b: {  	[tilespmem:s14], [sflag:$0x3] =	stream.linear.gather @!p0 [hbm4b:s11+s14], $0x80, $0x38;
	[tilespmem:$0x880] =	vst v63  }
0x4c: {  	_ =	swait.ge @!p0 [sflag:s16], $0x80  }
0x4d: {  	[sflag:s16] =	ssyncset.done @!p0 $0x0  }
0x4e: {  	[sflag:s16] =	ssyncadd.s32 @!p0 $0xFFFFFF80  }
0x4f: {  	[tilespmem:s13], [sflag:$0x1] =	stream.indirect.gather @!p0 [hbm4b:s3+s13], $0x10, s14, s13, $0xb8;
	[tilespmem:$0x880] =	vst v63  }
0x50: {  	s2 =	sadd.s32 $0x1, s2;
	_ =	swait.ge @!p0 [sflag:s15], $0x800  }
0x51: {  	p1 =	sne.s32 s2, s5;
	[sflag:s15] =	ssyncset.done @!p0 $0x0  }
.Ltmp1:
0x52: {  	s11 =	simm.s32 @!p0 $0x2;
	[sflag:s15] =	ssyncadd.s32 @!p0 $0xFFFFF800;
	(pc) =	sbr.rel @p1 .LBB2_1-.Ltmp1, $4  }
0x53: {  	[hbm4b:s10+s14] =	stream.linear.scatter @!p0 [tilespmem:s13], [sflag:$0x2], $0x800, $0x38;
	[tilespmem:$0x880] =	vst v63  }
0x54: {  	_ =	swait.ge @!p0 [sflag:s11], $0x800  }
0x55: {  	[sflag:s11] =	ssyncset.done @!p0 $0x0  }
0x56: {  	[sflag:s11] =	ssyncadd.s32 @!p0 $0xFFFFF800  }
0x57: {  	_ =	sfence.sel $0x180000  }
0x58: {  	[bflag:$0x0] =	sbarrier.arrive $0xFFFF  }
0x59: {  	p0 =	sne.s32 s1, $0x0;
	_ =	strace $0x90000047  }
0x5a: {  	s0 =	sadd.s32 @!p0 $0x100000, s0;
	[bflag:$0x2] =	sbarrier.arrive $0xFFFF  }
0x5b: {  	[sflag:s0] =	ssyncadd.tile.s32 @!p0 $0x1;
	_ =	shalt  }
.Lfunc_end2:
_tile_overlayer_lowered:
.L_overlay_start_2:
0x5c: {  	(tag) =	ssettag $0x2  }
0x5d: {  	s0 =	rddreg [dreg:$0x0];
	s2 =	stileid.u32  }
0x5e: {  	s1 =	rddreg [dreg:$0x1];
	p0 =	sne.s32 s2, $0x0  }
0x5f: {  	s3 =	rddreg [dreg:$0x2];
	[bflag:$0x3] =	sbarrier.arrive $0xFFFF;
	s2 =	simm.s32 @!p0 $0x1C02  }
0x60: {  	[timem:s3], [sflag:s2] =	dma.local @!p0 [hbm:s0], s1  }
0x61: {  	s0 =	simm.s32 @!p0 $0x2  }
0x62: {  	_ =	swait.ge @!p0 [sflag:s0], s1  }
0x63: {  	s1 =	ssub.s32 @!p0 $0x0, s1;
	[sflag:s0] =	ssyncset.done @!p0 $0x0  }
0x64: {  	[sflag:s0] =	ssyncadd.s32 @!p0 s1  }
0x65: {  	[bflag:$0x3] =	sbarrier.arrive $0xFFFF  }
0x66: {  	_ =	shalt  }

// kernel: kernel.9.cloned.1.call-start
scs
__scs_entry_jumppad:
0x0: {  	(pc) =	sbr.rel $0x88, $3  }
0x1: {  	(tag) =	ssettag $0x0;
	lr =	simm.s32 $0x1  }
0x2: {  	[smem:$0x3F8F] =	sst lr;
	_ =	strace $0xD0000000  }
0x3: {  	_ = 	snop  }
0x4: {  	_ = 	snop  }
0x5: {  	_ = 	snop  }
0x6: {  	_ = 	snop  }
0x7: {  	_ = 	snop  }
__scs_overlays_trampoline_lowered:
0x8: {  	[smem:$0x3F9E] =	sst s0  }
0x9: {  	[smem:$0x3F9F] =	sst s1  }
0xa: {  	[smem:$0x3FA0] =	sst s2  }
0xb: {  	[smem:$0x3FA1] =	sst s3  }
0xc: {  	[smem:$0x3FA2] =	sst s4  }
0xd: {  	[smem:$0x3FA3] =	sst s5  }
0xe: {  	[smem:$0x3FA4] =	sst s6  }
0xf: {  	[smem:$0x3FA5] =	sst s7  }
0x10: {  	[smem:$0x3FA6] =	sst s8  }
0x11: {  	[smem:$0x3FA7] =	sst s9;
	s0 =	simm.s32 @!p0 $0x0  }
0x12: {  	s1 =	sld [smem:$0x3F8D];
	s0 =	simm.s32 @p0 $0x1  }
0x13: {  	[smem:$0x3FA8] =	sst s0;
	s0 =	simm.s32 @!p1 $0x0  }
0x14: {  	s2 =	sld [smem:$0x3F8C];
	s0 =	simm.s32 @p1 $0x1  }
0x15: {  	[smem:$0x3FA9] =	sst s0;
	s0 =	simm.s32 @!p2 $0x0  }
0x16: {  	s3 =	sld [smem:$0x3FDB];
	s0 =	simm.s32 @p2 $0x1  }
0x17: {  	s4 =	simm.s32 $0x1BF5;
	[smem:$0x3FAB] =	sst s0  }
0x18: {  	s0 =	sld [smem:$0x3F8E];
	_ =	swait.ge [sflag:s4], $0x0  }
0x19: {  	s7 =	sld [smem:$0x3F8F]  }
0x1a: {  	s8 =	sadd.s32 $0xFFFFE003, lr  }
0x1b: {  	s9 =	sadd.s32 $0xFFFFFEF7, lr;
	s5 =	simm.s32 $0xFFFFFFFF;
	p2 =	slt.u32 s8, $0xFFFFF086  }
0x1c: {  	p1 =	slt.u32 s9, $0xF7A;
	s5 =	simm.s32 @!p2 $0x0  }
0x1d: {  	s5 =	simm.s32 @p1 $0x1;
	p0 =	seq.s32 s7, s2  }
0x1e: {  	s7 =	smul.u32 @!p0 $0xF7A, s2;
	p2 =	seq.s32 @!p0 s5, $0x0  }
0x1f: {  	s9 =	smul.u32 $0xF7A, s1;
	s8 =	simm.s32 @!p0 $0x1BF5;
	p2 =	por !p2, p0  }
0x20: {  	[sflag:s8] =	ssyncset.s32 @!p0 $0xFFFFF086;
	s6 =	sadd.s32 @!p0 s3, s7;
	s7 =	simm.s32 @!p0 $0x108  }
0x21: {  	s3 =	sadd.s32 s3, s9;
	s6 =	sadd.s32 @!p0 $0x88, s6;
	s7 =	simm.s32 @p2 $0x1082  }
0x22: {  	[simem:s7], [sflag:s8] =	dma.local @!p0 [hbm:s6], $0xF7A  }
0x23: {  	s9 =	sor.u32 $0xD0000000, s2;
	s6 =	simm.s32 $0x108;
	_ =	swait.ge @!p0 [sflag:s8], $0x0  }
0x24: {  	s3 =	sadd.s32 $0x88, s3;
	s6 =	simm.s32 @!p1 $0x1082;
	[sflag:s4] =	ssyncset.s32 $0xFFFFF086  }
0x25: {  	[simem:s6], [sflag:s4] =	dma.local [hbm:s3], $0xF7A  }
0x26: {  	[smem:$0x3F8F] =	sst s1;
	(tag) =	ssettag s2;
	_ =	strace s9  }
0x27: {  	s1 =	sld [smem:$0x3F9F]  }
0x28: {  	s2 =	sld [smem:$0x3FA0]  }
0x29: {  	s4 =	sld [smem:$0x3FA2]  }
0x2a: {  	p0 =	seq.s32 s5, $0x0;
	s5 =	sld [smem:$0x3FA3]  }
0x2b: {  	s6 =	sld [smem:$0x3FA4]  }
0x2c: {  	s7 =	sld [smem:$0x3FA5]  }
0x2d: {  	s3 =	simm.s32 $0x108;
	s8 =	sld [smem:$0x3FA6]  }
0x2e: {  	s3 =	simm.s32 @!p0 $0x1082;
	s9 =	sld [smem:$0x3FA7]  }
0x2f: {  	lr =	sadd.s32 s0, s3;
	s0 =	sld [smem:$0x3F9E]  }
0x30: {  	s3 =	sld [smem:$0x3FA1]  }
0x31: {  	[smem:$0x3FAA] =	sst s10  }
0x32: {  	s10 =	sld [smem:$0x3FA8];
	_ =	sdelay $0x3  }
0x33: {  	p0 =	seq.s32 s10, $0x1;
	s10 =	sld [smem:$0x3FAA];
	_ =	sdelay $0x3  }
0x34: {  	[smem:$0x3FAA] =	sst s10  }
0x35: {  	s10 =	sld [smem:$0x3FA9];
	_ =	sdelay $0x3  }
0x36: {  	p1 =	seq.s32 s10, $0x1;
	s10 =	sld [smem:$0x3FAA];
	_ =	sdelay $0x3  }
0x37: {  	[smem:$0x3FAA] =	sst s10  }
0x38: {  	s10 =	sld [smem:$0x3FAB]  }
0x39: {  	_ = 	snop;
	(pc) =	sbr.ind lr, $3  }
0x3a: {  	_ = 	snop  }
0x3b: {  	_ = 	snop  }
0x3c: {  	p2 =	seq.s32 s10, $0x1;
	s10 =	sld [smem:$0x3FAA]  }
0x3d: {  	_ =	shalt  }
0x3e: {  	_ =	shalt  }
0x3f: {  	_ =	shalt  }
0x40: {  	_ =	shalt  }
0x41: {  	_ =	shalt  }
0x42: {  	_ =	shalt  }
0x43: {  	_ =	shalt  }
0x44: {  	_ =	shalt  }
0x45: {  	_ =	shalt  }
0x46: {  	_ =	shalt  }
0x47: {  	_ =	shalt  }
0x48: {  	_ =	shalt  }
0x49: {  	_ =	shalt  }
0x4a: {  	_ =	shalt  }
0x4b: {  	_ =	shalt  }
0x4c: {  	_ =	shalt  }
0x4d: {  	_ =	shalt  }
0x4e: {  	_ =	shalt  }
0x4f: {  	_ =	shalt  }
0x50: {  	_ =	shalt  }
0x51: {  	_ =	shalt  }
0x52: {  	_ =	shalt  }
0x53: {  	_ =	shalt  }
0x54: {  	_ =	shalt  }
0x55: {  	_ =	shalt  }
0x56: {  	_ =	shalt  }
0x57: {  	_ =	shalt  }
0x58: {  	_ =	shalt  }
0x59: {  	_ =	shalt  }
0x5a: {  	_ =	shalt  }
0x5b: {  	_ =	shalt  }
0x5c: {  	_ =	shalt  }
0x5d: {  	_ =	shalt  }
0x5e: {  	_ =	shalt  }
0x5f: {  	_ =	shalt  }
0x60: {  	_ =	shalt  }
0x61: {  	_ =	shalt  }
0x62: {  	_ =	shalt  }
0x63: {  	_ =	shalt  }
0x64: {  	_ =	shalt  }
0x65: {  	_ =	shalt  }
0x66: {  	_ =	shalt  }
0x67: {  	_ =	shalt  }
0x68: {  	_ =	shalt  }
0x69: {  	_ =	shalt  }
0x6a: {  	_ =	shalt  }
0x6b: {  	_ =	shalt  }
0x6c: {  	_ =	shalt  }
0x6d: {  	_ =	shalt  }
0x6e: {  	_ =	shalt  }
0x6f: {  	_ =	shalt  }
0x70: {  	_ =	shalt  }
0x71: {  	_ =	shalt  }
0x72: {  	_ =	shalt  }
0x73: {  	_ =	shalt  }
0x74: {  	_ =	shalt  }
0x75: {  	_ =	shalt  }
0x76: {  	_ =	shalt  }
0x77: {  	_ =	shalt  }
0x78: {  	_ =	shalt  }
0x79: {  	_ =	shalt  }
0x7a: {  	_ =	shalt  }
0x7b: {  	_ =	shalt  }
0x7c: {  	_ =	shalt  }
0x7d: {  	_ =	shalt  }
0x7e: {  	_ =	shalt  }
0x7f: {  	_ =	shalt  }
0x80: {  	_ =	shalt  }
0x81: {  	_ =	shalt  }
0x82: {  	_ =	shalt  }
0x83: {  	_ =	shalt  }
0x84: {  	_ =	shalt  }
0x85: {  	_ =	shalt  }
0x86: {  	_ =	shalt  }
0x87: {  	_ =	shalt  }
.Lfunc_end0:
.L_simem_size_0:
called_computation.1_lowered:
.L_overlay_start_0:
0x88: {  	s2 =	sld [smem:$0x3FD9]  }
0x89: {  	s3 =	sld [smem:$0x3FFE];
	_ =	sdelay $0x1  }
0x8a: {  	s1 =	srdreg.scid  }
0x8b: {  	s0 =	sand.u32 $0x1, s1  }
0x8c: {  	s16 =	sshll.u32 s0, $0xA;
	s2 =	sadd.s32 s3, s2  }
0x8d: {  	s2 =	sadd.s32 s2, s16  }
0x8e: {  	[smem:$0x3FB6] =	sst s2  }
0x8f: {  	_ = 	snop  }
0x90: {  	(tm) =	ssettm $0x1  }
0x91: {  	s17 =	sld [smem:$0x3FFB];
	_ =	sdelay $0x3  }
0x92: {  	_ =	strace s17  }
0x93: {  	s2 =	sld [smem:$0x3FFC];
	_ =	sdelay $0x3  }
0x94: {  	_ =	strace s2  }
0x95: {  	s2 =	sld [smem:$0x3FFD];
	_ =	sdelay $0x3  }
0x96: {  	_ =	strace s2  }
0x97: {  	_ =	strace $0x8FFFFFFF  }
0x98: {  	s18 =	sld [smem:$0x3FDB];
	_ =	sdelay $0x1  }
0x99: {  	s19 =	simm.s32 $_scs_section_size  }
0x9a: {  	s4 =	simm.s32 $_size__tile_overlayer_lowered;
	s5 =	simm.s32 $_tile_overlayer_lowered  }
0x9b: {  	s22 =	simm.s32 $0x1BFF;
	s21 =	sshll.u32 s5, $0x1;
	s2 =	sadd.s32 s19, s18  }
0x9c: {  	s6 =	simm.s32 $0x0;
	s20 =	sshll.u32 s4, $0x1;
	s4 =	sadd.s32 s21, s2  }
0x9d: {  	[timem:s6], [sflag:s22] =	dma.local [hbm:s4], s20  }
0x9e: {  	_ =	swait.ge [sflag:s22], s20  }
0x9f: {  	s3 =	ssub.s32 $0x0, s20;
	[sflag:s22] =	ssyncset.done $0x0  }
0xa0: {  	[sflag:s22] =	ssyncadd.s32 s3;
	_ =	sdelay $0x1  }
0xa1: {  	s23 =	simm.s32 $0x1B8B  }
0xa2: {  	_ =	swait.ge [sflag:s23], $0x1  }
0xa3: {  	[sflag:s23] =	ssyncset.done $0x0  }
0xa4: {  	s25 =	simm.s32 $0x1B8E;
	s24 =	sld [smem:$0x3FFE];
	[sflag:s23] =	ssyncadd.s32 $0xFFFFFFFF  }
0xa5: {  	s26 =	simm.s32 $execute0_lowered;
	[smem:$0x3FD2] =	sst s25  }
0xa6: {  	s4 =	sshll.u32 s26, $0x1;
	_ =	strace $0x80000049;
	[dreg:$0x1] =	wrdreg $0xFFFFFFFF  }
0xa7: {  	s28 =	simm.s32 $_size_execute0_lowered;
	s2 =	sadd.s32 s2, s4;
	[dreg:$0x0] =	wrdreg $0x0  }
0xa8: {  	s4 =	sshll.u32 s28, $0x1;
	[dreg:$0x2] =	wrdreg s2  }
0xa9: {  	[dreg:$0x3] =	wrdreg s4  }
0xaa: {  	[dreg:$0x4] =	wrdreg $0xC0  }
0xab: {  	_ =	task [dreg:s6], $0x5FFFF  }
0xac: {  	[dreg:$0x1] =	wrdreg $0xFFFFFFFF  }
0xad: {  	[dreg:$0x0] =	wrdreg $0x60  }
0xae: {  	[dreg:$0x2] =	wrdreg s24  }
0xaf: {  	[dreg:$0x3] =	wrdreg $0x0  }
0xb0: {  	[dreg:$0x4] =	wrdreg $0x9  }
0xb1: {  	_ =	task.clear_ibuf [dreg:s6], $0x5FFFF;
	_ =	strace $0x90000049  }
0xb2: {  	s29 =	simm.s32 $0x9;
	_ =	strace $0x8000004B  }
0xb3: {  	_ =	swait.ge [sflag:s29], $0x1  }
0xb4: {  	[sflag:s29] =	ssyncadd.s32 $0xFFFFFFFF  }
0xb5: {  	_ =	strace $0x9000004B  }
0xb6: {  	_ =	sfence  }
0xb7: {  	s30 =	sld [smem:$0x0];
	_ =	sdelay $0x2  }
0xb8: {  	s31 =	sshll.u32 s1, $0xD;
	s1 =	sshrl.u32 s1, $0x2  }
0xb9: {  	s3 =	sand.u32 $0x4000, s31;
	s1 =	sadd.s32 s1, s30  }
0xba: {  	s0 =	sor.u32 s3, s0;
	s1 =	sshll.u32 s1, $0x11  }
0xbb: {  	s0 =	sor.u32 s1, s0  }
0xbc: {  	s0 =	sadd.s32 $0x8F2B, s0  }
0xbd: {  	[sflag:s0] =	ssyncadd.remote.s32 $0x1  }
0xbe: {  	_ =	sfence.sel $0xFFFF  }
0xbf: {  	[dreg:$0x0] =	wrdreg $0xFFFFFFFF;
	(pc) =	sbr.abs _section_cstart, $3  }
0xc0: {  	[dreg:$0x1] =	wrdreg $0xFFFFFFFF  }
0xc1: {  	_ =	task.clear_ibuf [dreg:s6], $0x2FFFF;
	_ =	strace $0x9FFFFFFF  }
0xc2: {  	(tm) =	ssettm $0x7FFFFFFF  }
0xc3: {  	_ =	shalt  }
tec
execute0_lowered:
.L_overlay_start_1:
0x0: {  	(tag) =	ssettag $0x1  }
0x1: {  	s4 =	rddreg [dreg:$0x0]  }
0x2: {  	s2 =	rddreg [dreg:$0x1]  }
0x3: {  	s0 =	rddreg [dreg:$0x2];
	s5 =	srdreg.scid  }
0x4: {  	s1 =	stileid.u32;
	s3 =	simm.s32 $0x0;
	s6 =	sand.u32 $0x1, s5  }
0x5: {  	s29 =	smul.u32 $0x2710, s1;
	[smem:$0x7FF] =	sst s3;
	s7 =	sshll.u32 s1, $0x9  }
0x6: {  	s9 =	sshll.u32 s1, $0x5;
	s8 =	smul.u32 $0x27100, s6;
	_ =	strace $0x8000004A  }
0x7: {  	s7 =	sadd.s32 s7, s4;
	s10 =	ssub.s32 $0x2, s6;
	s9 =	sadd.s32 s9, s4  }
0x8: {  	s30 =	sshll.u32 s6, $0x8;
	s12 =	sshll.u32 s6, $0x4;
	s11 =	sshrl.u32 s10, $0x1  }
0x9: {  	s5 =	sadd.s32 s29, s2;
	s31 =	sadd.s32 s30, s7;
	s9 =	sadd.s32 s12, s9  }
0xa: {  	s12 =	simm.s32 $0x0;
	s8 =	sadd.s32 s29, s8;
	s10 =	ssub.s32 s10, s11  }
0xb: {  	s9 =	sadd.s32 $0xD800, s9;
	s11 =	simm.s32 $0x1;
	s8 =	sshrl.u32 s8, $0x3  }
0xc: {  	s7 =	smax.u32 s10, $0x1;
	s10 =	simm.s32 $0x2F90;
	s8 =	sadd.s32 s8, s4  }
0xd: {  	v0 =	vimm.f32 $0.0e+00;
	s4 =	sshll.u32 s1, $0x1;
	s6 =	sadd.s32 $0x3A00, s8;
	s8 =	sadd.s32 $0x17600, s31  }
.LBB2_1:
0xe: {  	s13 =	simm.s32 $0x40;
	s14 =	simm.s32 $0x0  }
.LBB2_2:
0xf: {  	p0 =	sne.s32 s13, $0x9C00;
	[tilespmem:s14+$0x2F90] =	vst v0;
	s14 =	smov.u32 s13;
	s13 =	sadd.s32 $0x40, s13  }
.Ltmp0:
0x10: {  	(pc) =	sbr.rel @p0 .LBB2_2-.Ltmp0, $2  }
0x11: {  	_ =	sdelay $0x2  }
0x12: {  	s14 =	sshra.s32 s14, $0x2  }
0x13: {  	[tilespmem:s14+$0x2F90] =	vst v0  }
0x14: {  	[spmem:s5] =	stream.linear.scatter [tilespmem:s10], [sflag:$0x1], $0x2710, $0x38;
	[tilespmem:$0x56A0] =	vst v63  }
0x15: {  	s13 =	sadd.s32 $0x0, s4;
	_ =	swait.ge [sflag:s11], $0x2710  }
0x16: {  	p0 =	sgt.u32 s13, $0x9C3;
	[sflag:s11] =	ssyncset.done $0x0  }
0x17: {  	s13 =	simm.s32 @!p0 $0x0;
	[sflag:s11] =	ssyncadd.s32 $0xFFFFD8F0  }
0x18: {  	s14 =	simm.s32 @!p0 $0x2710;
	s16 =	simm.s32 @!p0 $0x2;
	[bflag:$0x0] =	sbarrier.arrive $0xFFFF  }
0x19: {  	[tilespmem:s14], [sflag:$0x2] =	stream.linear.gather @!p0 [hbm4b:s9+s13], $0x80, $0x38;
	[tilespmem:$0x56A0] =	vst v63  }
0x1a: {  	_ =	swait.ge @!p0 [sflag:s16], $0x80;
	p0 =	por p0, p0  }
0x1b: {  	[sflag:s16] =	ssyncset.done @!p0 $0x0  }
0x1c: {  	s17 =	simm.s32 @!p0 $0x2790;
	[sflag:s16] =	ssyncadd.s32 @!p0 $0xFFFFFF80  }
0x1d: {  	[tilespmem:s17], [sflag:$0x2] =	stream.linear.gather @!p0 [hbm4b:s8+s13], $0x800, $0x38;
	[tilespmem:$0x56A0] =	vst v63  }
0x1e: {  	s31 =	sadd.s32 $0x20, s4;
	_ =	swait.ge @!p0 [sflag:s16], $0x800  }
0x1f: {  	s15 =	simm.s32 $0x40;
	p1 =	sgt.u32 s31, $0x9C3;
	[sflag:s16] =	ssyncset.done @!p0 $0x0  }
0x20: {  	s13 =	simm.s32 @!p0 $0x80;
	[sflag:s16] =	ssyncadd.s32 @!p0 $0xFFFFF800;
	s16 =	simm.s32 @!p0 $0x1  }
0x21: {  	[spmem:s2] =	stream.indirect.scatter.add.f32 @!p0 [tilespmem:s17], [sflag:$0x1], $0x10, s14, s13, $0xb8;
	[tilespmem:$0x56A0] =	vst v63  }
0x22: {  	s14 =	sadd.s32 $0x200, s9;
	s13 =	sadd.s32 $0x2000, s8;
	_ =	swait.ge @!p0 [sflag:s16], $0x800  }
.LBB2_4:
0x23: {  	s17 =	simm.s32 @!p1 $0x0  }
0x24: {  	s18 =	simm.s32 @!p1 $0x2710;
	[sflag:s16] =	ssyncset.done @!p0 $0x0;
	s19 =	smov.u32 s15  }
0x25: {  	s15 =	sadd.s32 $0x20, s15;
	s20 =	simm.s32 @!p1 $0x2;
	[sflag:s16] =	ssyncadd.s32 @!p0 $0xFFFFF800  }
0x26: {  	[tilespmem:s18], [sflag:$0x2] =	stream.linear.gather @!p1 [hbm4b:s14+s17], $0x80, $0x38;
	[tilespmem:$0x56A0] =	vst v63  }
0x27: {  	p2 =	sne.s32 s15, $0x9E0;
	p0 =	por p1, p1;
	_ =	swait.ge @!p1 [sflag:s20], $0x80  }
0x28: {  	[sflag:s20] =	ssyncset.done @!p0 $0x0  }
0x29: {  	s21 =	simm.s32 @!p0 $0x2790;
	[sflag:s20] =	ssyncadd.s32 @!p0 $0xFFFFFF80  }
0x2a: {  	[tilespmem:s21], [sflag:$0x2] =	stream.linear.gather @!p0 [hbm4b:s13+s17], $0x800, $0x38;
	[tilespmem:$0x56A0] =	vst v63  }
.Ltmp1:
0x2b: {  	_ =	swait.ge @!p0 [sflag:s20], $0x800;
	(pc) =	sbr.rel @p2 .LBB2_4-.Ltmp1, $4  }
0x2c: {  	s16 =	simm.s32 @!p0 $0x1;
	s14 =	sadd.s32 $0x200, s14;
	[sflag:s20] =	ssyncset.done @!p0 $0x0  }
0x2d: {  	s17 =	sadd.s32 s19, s4;
	s19 =	simm.s32 @!p0 $0x80;
	[sflag:s20] =	ssyncadd.s32 @!p0 $0xFFFFF800  }
0x2e: {  	[spmem:s2] =	stream.indirect.scatter.add.f32 @!p0 [tilespmem:s21], [sflag:$0x1], $0x10, s18, s19, $0xb8;
	[tilespmem:$0x56A0] =	vst v63  }
0x2f: {  	s13 =	sadd.s32 $0x2000, s13;
	p1 =	sgt.u32 s17, $0x9C3;
	_ =	swait.ge @!p0 [sflag:s16], $0x800  }
0x30: {  	s15 =	simm.s32 @!p1 $0x0;
	[sflag:s16] =	ssyncset.done @!p0 $0x0  }
0x31: {  	s17 =	simm.s32 @!p1 $0x2710;
	s18 =	simm.s32 @!p1 $0x2;
	[sflag:s16] =	ssyncadd.s32 @!p0 $0xFFFFF800  }
0x32: {  	[tilespmem:s17], [sflag:$0x2] =	stream.linear.gather @!p1 [hbm4b:s14+s15], $0x80, $0x38;
	[tilespmem:$0x56A0] =	vst v63  }
0x33: {  	p0 =	por p1, p1;
	_ =	swait.ge @!p1 [sflag:s18], $0x80  }
0x34: {  	[sflag:s18] =	ssyncset.done @!p0 $0x0  }
0x35: {  	s14 =	simm.s32 @!p0 $0x2790;
	[sflag:s18] =	ssyncadd.s32 @!p0 $0xFFFFFF80  }
0x36: {  	[tilespmem:s14], [sflag:$0x2] =	stream.linear.gather @!p0 [hbm4b:s13+s15], $0x800, $0x38;
	[tilespmem:$0x56A0] =	vst v63  }
0x37: {  	_ =	swait.ge @!p0 [sflag:s18], $0x800  }
0x38: {  	[sflag:s18] =	ssyncset.done @!p0 $0x0  }
0x39: {  	s13 =	simm.s32 @!p0 $0x1;
	s15 =	simm.s32 @!p0 $0x80;
	[sflag:s18] =	ssyncadd.s32 @!p0 $0xFFFFF800  }
0x3a: {  	[spmem:s2] =	stream.indirect.scatter.add.f32 @!p0 [tilespmem:s14], [sflag:$0x1], $0x10, s17, s15, $0xb8;
	[tilespmem:$0x56A0] =	vst v63  }
0x3b: {  	_ =	swait.ge @!p0 [sflag:s13], $0x800  }
0x3c: {  	[sflag:s13] =	ssyncset.done @!p0 $0x0  }
0x3d: {  	[sflag:s13] =	ssyncadd.s32 @!p0 $0xFFFFF800  }
0x3e: {  	[bflag:$0x0] =	sbarrier.arrive $0xFFFF  }
0x3f: {  	[tilespmem:s10], [sflag:$0x1] =	stream.linear.gather [spmem:s5], $0x2710, $0x38;
	[tilespmem:$0x56A0] =	vst v63  }
0x40: {  	s12 =	sadd.s32 $0x1, s12;
	_ =	swait.ge [sflag:s11], $0x2710  }
0x41: {  	p0 =	sne.s32 s12, s7;
	[sflag:s11] =	ssyncset.done $0x0  }
.Ltmp2:
0x42: {  	[sflag:s11] =	ssyncadd.s32 $0xFFFFD8F0;
	(pc) =	sbr.rel @p0 .LBB2_1-.Ltmp2, $4  }
0x43: {  	[hbm4b:s6+s3] =	stream.linear.scatter [tilespmem:s10], [sflag:$0x1], $0x2710, $0x38;
	[tilespmem:$0x56A0] =	vst v63  }
0x44: {  	_ =	swait.ge [sflag:s11], $0x2710  }
0x45: {  	[sflag:s11] =	ssyncset.done $0x0  }
0x46: {  	[sflag:s11] =	ssyncadd.s32 $0xFFFFD8F0  }
0x47: {  	_ =	sfence.sel $0x180000  }
0x48: {  	[bflag:$0x0] =	sbarrier.arrive $0xFFFF  }
0x49: {  	p0 =	sne.s32 s1, $0x0;
	_ =	strace $0x9000004A  }
0x4a: {  	s0 =	sadd.s32 @!p0 $0x100000, s0;
	[bflag:$0x2] =	sbarrier.arrive $0xFFFF  }
0x4b: {  	[sflag:s0] =	ssyncadd.tile.s32 @!p0 $0x1;
	_ =	shalt  }
.Lfunc_end2:
_tile_overlayer_lowered:
.L_overlay_start_2:
0x4c: {  	(tag) =	ssettag $0x2  }
0x4d: {  	s0 =	rddreg [dreg:$0x0];
	s2 =	stileid.u32  }
0x4e: {  	s1 =	rddreg [dreg:$0x1];
	p0 =	sne.s32 s2, $0x0  }
0x4f: {  	s3 =	rddreg [dreg:$0x2];
	[bflag:$0x3] =	sbarrier.arrive $0xFFFF;
	s2 =	simm.s32 @!p0 $0x1C01  }
0x50: {  	[timem:s3], [sflag:s2] =	dma.local @!p0 [hbm:s0], s1  }
0x51: {  	s0 =	simm.s32 @!p0 $0x1  }
0x52: {  	_ =	swait.ge @!p0 [sflag:s0], s1  }
0x53: {  	s1 =	ssub.s32 @!p0 $0x0, s1;
	[sflag:s0] =	ssyncset.done @!p0 $0x0  }
0x54: {  	[sflag:s0] =	ssyncadd.s32 @!p0 s1  }
0x55: {  	[bflag:$0x3] =	sbarrier.arrive $0xFFFF  }
0x56: {  	_ =	shalt  }

</sc_bundles>
